<compile_context>
chip_gen: v7x
topology: tpu7x:2x2x1
jax: 0.10.2.dev20260603
libtpu: 0.0.44.dev20260713+nightly
codegen_flags: <defaults>
</compile_context>

<pallas_src>
import jax
import jax.numpy as jnp
from jax.experimental import pallas as pl
from jax.experimental.pallas import tpu as pltpu

_IN_CH = 96
_OUT_CH = 192
_K = 3
_STRIDE = 2
_PAD = 1
_TABLE = 16
_NH = 4
_M = 9
_U = 0.99
_R = 2.5
_B, _H, _W = 2, 224, 224
_HO = _WO = 112
_RB = 16
_NRB = _HO // _RB
_IRB = 2 * _RB
_PCH = _OUT_CH
_OCB = 64
_NOCB = _PCH // _OCB


def _conv_body(wref, xm, xh, oref):
    k = pl.program_id(1)

    xblk = xm[...]
    even = jnp.concatenate([xblk[:, 2 * j:2 * j + 1, :] for j in range(_RB)],
                           axis=1)
    odd = jnp.concatenate([xblk[:, 2 * j + 1:2 * j + 2, :] for j in range(_RB)],
                          axis=1)
    halo = xh[:, 7:8, :]
    halo = jnp.where(k == 0, jnp.zeros_like(halo), halo)
    oprev = jnp.concatenate([halo, odd[:, :-1, :]], axis=1)

    def mm(w, rows):
        return jax.lax.dot_general(
            w, rows.reshape(_IN_CH, _RB * _W).astype(jnp.bfloat16),
            (((1,), (0,)), ((), ())),
            preferred_element_type=jnp.float32)

    w = wref[...]
    t0 = mm(w[0, 0], oprev) + mm(w[1, 0], even) + mm(w[2, 0], odd)
    t1 = mm(w[0, 1], oprev) + mm(w[1, 1], even) + mm(w[2, 1], odd)
    t2 = mm(w[0, 2], oprev) + mm(w[1, 2], even) + mm(w[2, 2], odd)
    t0 = t0.reshape(_OCB, _RB, _W)
    t1 = t1.reshape(_OCB, _RB, _W)
    t2 = t2.reshape(_OCB, _RB, _W)
    rolled = jnp.concatenate(
        [jnp.zeros((_OCB, _RB, 2), jnp.float32), t0[:, :, :-2]], axis=2)
    u = t2 + rolled
    cat = jnp.concatenate([t1, u], axis=2).reshape(_OCB * _RB, 2 * _W)
    src = jax.lax.broadcasted_iota(jnp.int32, (2 * _W, _WO), 0)
    dst = jax.lax.broadcasted_iota(jnp.int32, (2 * _W, _WO), 1)
    sel = ((src == 2 * dst) | (src == 2 * dst + 1 + _W)).astype(jnp.float32)
    oref[...] = jax.lax.dot_general(
        cat, sel, (((1,), (0,)), ((), ())),
        preferred_element_type=jnp.float32).reshape(_OCB, _RB, _WO)


def _conv_pallas(wt, x):
    return pl.pallas_call(
        _conv_body,
        grid=(_B, _NRB, _NOCB),
        in_specs=[
            pl.BlockSpec((_K, _K, _OCB, _IN_CH), lambda b, k, o: (0, 0, o, 0)),
            pl.BlockSpec((None, _IN_CH, _IRB, _W), lambda b, k, o: (b, 0, k, 0)),
            pl.BlockSpec((None, _IN_CH, 8, _W),
                         lambda b, k, o: (b, 0, jnp.maximum(_IRB // 8 * k - 1, 0), 0)),
        ],
        out_specs=pl.BlockSpec((None, _OCB, _RB, _WO), lambda b, k, o: (b, o, k, 0)),
        out_shape=jax.ShapeDtypeStruct((_B, _PCH, _HO, _WO), jnp.float32),
        compiler_params=pltpu.CompilerParams(
            dimension_semantics=("parallel", "arbitrary", "arbitrary")),
    )(wt, x, x)


def _aug_body(xref, sref, oref):
    den = sref[0]
    eye = jnp.eye(_IN_CH, dtype=jnp.bfloat16)
    for b in range(_B):
        vb = ((xref[b] * _U) / den).astype(jnp.bfloat16)
        rows = []
        for r in range(8):
            t = jax.lax.dot_general(
                vb[:, r, :], eye, (((0,), (0,)), ((), ())),
                preferred_element_type=jnp.float32)
            rows.append(t.astype(jnp.bfloat16)[None])
        t8 = jnp.concatenate(rows, axis=0)
        q = jnp.full((8, _W, 1), 0.5, jnp.bfloat16)
        sp = jnp.full((8, _W, 1), sref[1 + b].astype(jnp.bfloat16))
        oref[:, :, b, :] = jnp.concatenate([t8, q, sp], axis=-1)


def _aug_pallas(x, scal):
    return pl.pallas_call(
        _aug_body,
        grid=(_H // 8,),
        in_specs=[
            pl.BlockSpec((_B, _IN_CH, 8, _W), lambda k: (0, 0, k, 0)),
            pl.BlockSpec(memory_space=pltpu.SMEM),
        ],
        out_specs=pl.BlockSpec((8, _W, _B, _IN_CH + 2), lambda k: (k, 0, 0, 0)),
        out_shape=jax.ShapeDtypeStruct((_H, _W, _B, _IN_CH + 2), jnp.bfloat16),
    )(x, scal)


def _active_mask(x, weight, hash_a, hash_b):
    w_flat = weight.reshape(_OUT_CH, -1)
    denom = jnp.linalg.norm(w_flat, axis=1).max()
    w_u = _U * w_flat / denom
    norms = jnp.linalg.norm(w_u, axis=1, keepdims=True)
    powers = jnp.concatenate([norms ** (2 ** (i + 1)) for i in range(_M)], axis=1)
    halves = jnp.full((_OUT_CH, _M), 0.5, dtype=w_u.dtype)
    w_pq = jnp.concatenate([w_u, powers, halves], axis=1)
    k_proj = w_pq @ hash_a.T + hash_b[None, :]
    k_idx = jnp.abs(jnp.mod(jnp.floor(k_proj / _R).astype(jnp.int32), _TABLE))

    x_u = _U * x / denom
    s = jnp.linalg.norm(x_u.reshape(_B, -1), axis=1) ** 2
    scal = jnp.concatenate([denom[None], s]).astype(jnp.float32)
    pt = _aug_pallas(x, scal)
    x_aug = jnp.transpose(pt, (2, 3, 0, 1))
    hk = hash_a.reshape(_NH, _IN_CH + 2, _K, _K).astype(jnp.bfloat16)
    dotted = jax.lax.conv_general_dilated(
        x_aug, hk, window_strides=(_STRIDE, _STRIDE),
        padding=((_PAD, _PAD), (_PAD, _PAD)),
        rhs_dilation=(1, 1),
        dimension_numbers=('NCHW', 'OIHW', 'NCHW'),
        preferred_element_type=jnp.float32)
    bucket = jnp.abs(jnp.mod(
        jnp.floor((dotted + hash_b.reshape(1, -1, 1, 1)) / _R).astype(jnp.int32),
        _TABLE))
    counts = jnp.stack([jnp.bincount(bucket[:, h].ravel(), length=_TABLE)
                        for h in range(_NH)])
    best = jnp.argmax(counts, axis=1)
    return jnp.any(k_idx == best[None, :], axis=1)


def kernel(x, weight, hash_a, hash_b):
    active = _active_mask(x, weight, hash_a, hash_b)
    scale = jnp.asarray(_NH / _TABLE, dtype=x.dtype)
    w_eff = weight * (active.astype(x.dtype) * scale)[:, None, None, None]
    wt = jnp.transpose(w_eff, (2, 3, 0, 1)).astype(jnp.bfloat16)
    return _conv_pallas(wt, x)

# --- scband reference (transcript-rebuilt; emitter-appended) ---
"""Pipeline reference for scband-f-alshconv2d-7198365188565 (READ-ONLY COPY).

The authoritative reference and input builder live on the scoring server;
editing this copy changes nothing except your own understanding.
"""

import jax, jax.numpy as jnp
import numpy as np

IN_CH = 96
OUT_CH = 192
K = 3
STRIDE = 2
PAD = 1
DIL = 1
TABLE_SIZE = 16
NUM_HASHES = 4
M = 9
U = 0.99
R = 2.5
EXTRA = (2 * M) // (K * K)  # = 2 extra ALSH channels appended to the input
HASH_DIM = IN_CH * K * K + 2 * M  # hash_dim from __init__: k^2*in_ch + 2m
B, H, W = 2, 224, 224


def _conv(x, w, stride, pad, dil):
    return jax.lax.conv_general_dilated(
        x, w, window_strides=(stride, stride),
        padding=((pad, pad), (pad, pad)),
        rhs_dilation=(dil, dil),
        dimension_numbers=('NCHW', 'OIHW', 'NCHW'))


def setup_inputs(seed: int = 0):
    key = jax.random.key(seed)
    k1, k2, k3, k4 = jax.random.split(key, 4)
    x = jax.random.normal(k1, (B, IN_CH, H, W), jnp.float32)
    weight = jax.random.normal(k2, (OUT_CH, IN_CH, K, K), jnp.float32) * 0.05
    hash_a = jax.random.normal(k3, (NUM_HASHES, HASH_DIM), jnp.float32)
    hash_b = jax.random.uniform(k4, (NUM_HASHES,), jnp.float32, 0.0, R)
    return {"x": x, "weight": weight, "hash_a": hash_a, "hash_b": hash_b}


def _forward(x, weight, hash_a, hash_b):
    # ---- init_table: scale kernels under U, apply P (norm powers) + Q (halves), hash ----
    w_flat = weight.reshape(OUT_CH, -1)
    denom = jnp.linalg.norm(w_flat, axis=1).max()
    w_u = U * w_flat / denom
    norms = jnp.linalg.norm(w_u, axis=1, keepdims=True)
    powers = jnp.concatenate([norms ** (2 ** (i + 1)) for i in range(M)], axis=1)
    halves = jnp.full((OUT_CH, M), 0.5, dtype=w_u.dtype)
    w_pq = jnp.concatenate([w_u, powers, halves], axis=1)  # [OUT_CH, HASH_DIM]
    k_proj = jax.lax.stop_gradient(w_pq @ hash_a.T + hash_b[None, :])
    k_idx = jnp.abs(jnp.mod(jnp.floor(k_proj / R).astype(jnp.int32), TABLE_SIZE))  # [OUT_CH, NUM_HASHES]

    # ---- vote: hash input patches via convolution with a_to_kernel ----
    x_u = U * x / denom  # ScaleUnder_U with update_denom=False (kernel denom)
    q_chan = jnp.full((B, 1, H, W), 0.5, dtype=x.dtype)  # Q appends halves
    p_chan = jnp.broadcast_to(
        (jnp.linalg.norm(x_u.reshape(B, -1), axis=1) ** 2).reshape(B, 1, 1, 1),
        (B, 1, H, W)).astype(x.dtype)  # P appends norm power plane
    x_aug = jnp.concatenate([x_u, q_chan, p_chan], axis=1)  # [B, IN_CH+EXTRA, H, W]
    hk = hash_a.reshape(NUM_HASHES, IN_CH + EXTRA, K, K)
    dotted = jax.lax.stop_gradient(_conv(x_aug, hk, STRIDE, PAD, DIL))  # [B, NH, Ho, Wo]
    bucket = jnp.abs(jnp.mod(jnp.floor((dotted + hash_b.reshape(1, -1, 1, 1)) / R).astype(jnp.int32), TABLE_SIZE))
    bucket = jax.lax.stop_gradient(bucket)

    # count_votes per hash over all patches, pick winning bucket per hash
    counts = jnp.stack([jnp.bincount(bucket[:, h].ravel(), length=TABLE_SIZE) for h in range(NUM_HASHES)])
    best = jnp.argmax(counts, axis=1)  # [NUM_HASHES]

    # rows = union of table rows of winning buckets (expressed as a membership mask)
    active = jnp.any(k_idx == best[None, :], axis=1)  # [OUT_CH] bool
    active = jax.lax.stop_gradient(active)

    # ---- convolve with the active set; inactive kernels produce zero rows ----
    out_full = _conv(x, weight, STRIDE, PAD, DIL)  # [B, OUT_CH, Ho, Wo]
    scale = jnp.asarray(NUM_HASHES / TABLE_SIZE, dtype=x.dtype)  # _get_scale
    return out_full * active.astype(x.dtype)[None, :, None, None] * scale


def reference(x, weight, hash_a, hash_b):
    return _forward(x, weight, hash_a, hash_b)

if __name__ == "__main__":
    import jax
    _d = setup_inputs()
    print(jax.jit(kernel)(*tuple(_d.values())))

</pallas_src>

<mosaic_0001>
module attributes {stable_mosaic.version = 14 : i64} {
  func.func @_aug_body(%arg0: i32, %arg1: memref<2x96x8x224xf32, #tpu.memory_space<vmem>>, %arg2: memref<3xf32, #tpu.memory_space<smem>>, %arg3: memref<8x224x2x98xbf16, #tpu.memory_space<vmem>>) attributes {dimension_semantics = [#tpu.dimension_semantics<arbitrary>], iteration_bounds = array<i64: 28>, scalar_prefetch = 0 : i64, scratch_operands = 0 : i64, tpu.core_type = #tpu.core_type<tc>, window_params = [{transform_indices = @transform_0, window_bounds = array<i64: 2, 96, 8, 224>}, {transform_indices = @transform_1, window_bounds = array<i64: 3>}, {transform_indices = @transform_2, window_bounds = array<i64: 8, 224, 2, 98>}]} {
    %get3A = arith.constant 0 : index
    %get3A_0 = memref.load %arg2[%get3A] : memref<3xf32, #tpu.memory_space<smem>>
    %iota3A = tpu.iota {dimensions = array<i32: 0>} : vector<96x96xi32>
    %iota3A_1 = tpu.iota {dimensions = array<i32: 1>} : vector<96x96xi32>
    %add3A = arith.constant 0 : i32
    %add3A_2 = vector.broadcast %add3A : i32 to vector<96x96xi32>
    %add3A_3 = arith.addi %iota3A, %add3A_2 : vector<96x96xi32>
    %eq3A = arith.cmpi eq, %add3A_3, %iota3A_1 : vector<96x96xi32>
    %convert_element_type3A = arith.extui %eq3A : vector<96x96xi1> to vector<96x96xi32>
    %convert_element_type3A_4 = arith.sitofp %convert_element_type3A : vector<96x96xi32> to vector<96x96xf32>
    %convert_element_type3A_5 = arith.truncf %convert_element_type3A_4 : vector<96x96xf32> to vector<96x96xbf16>
    %get3A_6 = arith.constant 0 : index
    %get3A_7 = arith.constant 0 : index
    %get3A_8 = arith.constant 0 : index
    %get3A_9 = arith.constant 0 : index
    %get3A_10 = vector.load %arg1[%get3A_6, %get3A_7, %get3A_8, %get3A_9] : memref<2x96x8x224xf32, #tpu.memory_space<vmem>>, vector<1x96x8x224xf32>
    %get3A_11 = vector.shape_cast %get3A_10 : vector<1x96x8x224xf32> to vector<96x8x224xf32>
    %mul3A = arith.constant 9.900000e-01 : f32
    %mul3A_12 = vector.broadcast %mul3A : f32 to vector<96x8x224xf32>
    %mul3A_13 = arith.mulf %get3A_11, %mul3A_12 : vector<96x8x224xf32>
    %div3A = vector.broadcast %get3A_0 : f32 to vector<96x8x224xf32>
    %div3A_14 = arith.divf %mul3A_13, %div3A : vector<96x8x224xf32>
    %convert_element_type3A_15 = arith.truncf %div3A_14 : vector<96x8x224xf32> to vector<96x8x224xbf16>
    %slice3A = vector.extract_strided_slice %convert_element_type3A_15 {offsets = [0, 0, 0], sizes = [96, 1, 224], strides = [1, 1, 1]} : vector<96x8x224xbf16> to vector<96x1x224xbf16>
    %squeeze3A = vector.shape_cast %slice3A : vector<96x1x224xbf16> to vector<96x224xbf16>
    %dot_general3A = arith.constant dense<0.000000e+00> : vector<224x96xf32>
    %dot_general3A_16 = tpu.matmul %squeeze3A, %convert_element_type3A_5, %dot_general3A {dimension_numbers = #tpu.dot_dimension_numbers<[0], [0], [1], [1], [0, 1, 1, 1], [], []>, transpose_lhs_hint = false} : vector<96x224xbf16>, vector<96x96xbf16>, vector<224x96xf32> -> vector<224x96xf32>
    %convert_element_type3A_17 = arith.truncf %dot_general3A_16 : vector<224x96xf32> to vector<224x96xbf16>
    %broadcast_in_dim3A = vector.shape_cast %convert_element_type3A_17 : vector<224x96xbf16> to vector<1x224x96xbf16>
    %slice3A_18 = vector.extract_strided_slice %convert_element_type3A_15 {offsets = [0, 1, 0], sizes = [96, 1, 224], strides = [1, 1, 1]} : vector<96x8x224xbf16> to vector<96x1x224xbf16>
    %squeeze3A_19 = vector.shape_cast %slice3A_18 : vector<96x1x224xbf16> to vector<96x224xbf16>
    %dot_general3A_20 = arith.constant dense<0.000000e+00> : vector<224x96xf32>
    %dot_general3A_21 = tpu.matmul %squeeze3A_19, %convert_element_type3A_5, %dot_general3A_20 {dimension_numbers = #tpu.dot_dimension_numbers<[0], [0], [1], [1], [0, 1, 1, 1], [], []>, transpose_lhs_hint = false} : vector<96x224xbf16>, vector<96x96xbf16>, vector<224x96xf32> -> vector<224x96xf32>
    %convert_element_type3A_22 = arith.truncf %dot_general3A_21 : vector<224x96xf32> to vector<224x96xbf16>
    %broadcast_in_dim3A_23 = vector.shape_cast %convert_element_type3A_22 : vector<224x96xbf16> to vector<1x224x96xbf16>
    %slice3A_24 = vector.extract_strided_slice %convert_element_type3A_15 {offsets = [0, 2, 0], sizes = [96, 1, 224], strides = [1, 1, 1]} : vector<96x8x224xbf16> to vector<96x1x224xbf16>
    %squeeze3A_25 = vector.shape_cast %slice3A_24 : vector<96x1x224xbf16> to vector<96x224xbf16>
    %dot_general3A_26 = arith.constant dense<0.000000e+00> : vector<224x96xf32>
    %dot_general3A_27 = tpu.matmul %squeeze3A_25, %convert_element_type3A_5, %dot_general3A_26 {dimension_numbers = #tpu.dot_dimension_numbers<[0], [0], [1], [1], [0, 1, 1, 1], [], []>, transpose_lhs_hint = false} : vector<96x224xbf16>, vector<96x96xbf16>, vector<224x96xf32> -> vector<224x96xf32>
    %convert_element_type3A_28 = arith.truncf %dot_general3A_27 : vector<224x96xf32> to vector<224x96xbf16>
    %broadcast_in_dim3A_29 = vector.shape_cast %convert_element_type3A_28 : vector<224x96xbf16> to vector<1x224x96xbf16>
    %slice3A_30 = vector.extract_strided_slice %convert_element_type3A_15 {offsets = [0, 3, 0], sizes = [96, 1, 224], strides = [1, 1, 1]} : vector<96x8x224xbf16> to vector<96x1x224xbf16>
    %squeeze3A_31 = vector.shape_cast %slice3A_30 : vector<96x1x224xbf16> to vector<96x224xbf16>
    %dot_general3A_32 = arith.constant dense<0.000000e+00> : vector<224x96xf32>
    %dot_general3A_33 = tpu.matmul %squeeze3A_31, %convert_element_type3A_5, %dot_general3A_32 {dimension_numbers = #tpu.dot_dimension_numbers<[0], [0], [1], [1], [0, 1, 1, 1], [], []>, transpose_lhs_hint = false} : vector<96x224xbf16>, vector<96x96xbf16>, vector<224x96xf32> -> vector<224x96xf32>
    %convert_element_type3A_34 = arith.truncf %dot_general3A_33 : vector<224x96xf32> to vector<224x96xbf16>
    %broadcast_in_dim3A_35 = vector.shape_cast %convert_element_type3A_34 : vector<224x96xbf16> to vector<1x224x96xbf16>
    %slice3A_36 = vector.extract_strided_slice %convert_element_type3A_15 {offsets = [0, 4, 0], sizes = [96, 1, 224], strides = [1, 1, 1]} : vector<96x8x224xbf16> to vector<96x1x224xbf16>
    %squeeze3A_37 = vector.shape_cast %slice3A_36 : vector<96x1x224xbf16> to vector<96x224xbf16>
    %dot_general3A_38 = arith.constant dense<0.000000e+00> : vector<224x96xf32>
    %dot_general3A_39 = tpu.matmul %squeeze3A_37, %convert_element_type3A_5, %dot_general3A_38 {dimension_numbers = #tpu.dot_dimension_numbers<[0], [0], [1], [1], [0, 1, 1, 1], [], []>, transpose_lhs_hint = false} : vector<96x224xbf16>, vector<96x96xbf16>, vector<224x96xf32> -> vector<224x96xf32>
    %convert_element_type3A_40 = arith.truncf %dot_general3A_39 : vector<224x96xf32> to vector<224x96xbf16>
    %broadcast_in_dim3A_41 = vector.shape_cast %convert_element_type3A_40 : vector<224x96xbf16> to vector<1x224x96xbf16>
    %slice3A_42 = vector.extract_strided_slice %convert_element_type3A_15 {offsets = [0, 5, 0], sizes = [96, 1, 224], strides = [1, 1, 1]} : vector<96x8x224xbf16> to vector<96x1x224xbf16>
    %squeeze3A_43 = vector.shape_cast %slice3A_42 : vector<96x1x224xbf16> to vector<96x224xbf16>
    %dot_general3A_44 = arith.constant dense<0.000000e+00> : vector<224x96xf32>
    %dot_general3A_45 = tpu.matmul %squeeze3A_43, %convert_element_type3A_5, %dot_general3A_44 {dimension_numbers = #tpu.dot_dimension_numbers<[0], [0], [1], [1], [0, 1, 1, 1], [], []>, transpose_lhs_hint = false} : vector<96x224xbf16>, vector<96x96xbf16>, vector<224x96xf32> -> vector<224x96xf32>
    %convert_element_type3A_46 = arith.truncf %dot_general3A_45 : vector<224x96xf32> to vector<224x96xbf16>
    %broadcast_in_dim3A_47 = vector.shape_cast %convert_element_type3A_46 : vector<224x96xbf16> to vector<1x224x96xbf16>
    %slice3A_48 = vector.extract_strided_slice %convert_element_type3A_15 {offsets = [0, 6, 0], sizes = [96, 1, 224], strides = [1, 1, 1]} : vector<96x8x224xbf16> to vector<96x1x224xbf16>
    %squeeze3A_49 = vector.shape_cast %slice3A_48 : vector<96x1x224xbf16> to vector<96x224xbf16>
    %dot_general3A_50 = arith.constant dense<0.000000e+00> : vector<224x96xf32>
    %dot_general3A_51 = tpu.matmul %squeeze3A_49, %convert_element_type3A_5, %dot_general3A_50 {dimension_numbers = #tpu.dot_dimension_numbers<[0], [0], [1], [1], [0, 1, 1, 1], [], []>, transpose_lhs_hint = false} : vector<96x224xbf16>, vector<96x96xbf16>, vector<224x96xf32> -> vector<224x96xf32>
    %convert_element_type3A_52 = arith.truncf %dot_general3A_51 : vector<224x96xf32> to vector<224x96xbf16>
    %broadcast_in_dim3A_53 = vector.shape_cast %convert_element_type3A_52 : vector<224x96xbf16> to vector<1x224x96xbf16>
    %slice3A_54 = vector.extract_strided_slice %convert_element_type3A_15 {offsets = [0, 7, 0], sizes = [96, 1, 224], strides = [1, 1, 1]} : vector<96x8x224xbf16> to vector<96x1x224xbf16>
    %squeeze3A_55 = vector.shape_cast %slice3A_54 : vector<96x1x224xbf16> to vector<96x224xbf16>
    %dot_general3A_56 = arith.constant dense<0.000000e+00> : vector<224x96xf32>
    %dot_general3A_57 = tpu.matmul %squeeze3A_55, %convert_element_type3A_5, %dot_general3A_56 {dimension_numbers = #tpu.dot_dimension_numbers<[0], [0], [1], [1], [0, 1, 1, 1], [], []>, transpose_lhs_hint = false} : vector<96x224xbf16>, vector<96x96xbf16>, vector<224x96xf32> -> vector<224x96xf32>
    %convert_element_type3A_58 = arith.truncf %dot_general3A_57 : vector<224x96xf32> to vector<224x96xbf16>
    %broadcast_in_dim3A_59 = vector.shape_cast %convert_element_type3A_58 : vector<224x96xbf16> to vector<1x224x96xbf16>
    %concatenate3A = tpu.concatenate %broadcast_in_dim3A, %broadcast_in_dim3A_23, %broadcast_in_dim3A_29, %broadcast_in_dim3A_35, %broadcast_in_dim3A_41, %broadcast_in_dim3A_47, %broadcast_in_dim3A_53, %broadcast_in_dim3A_59 in 0 : vector<1x224x96xbf16>, vector<1x224x96xbf16>, vector<1x224x96xbf16>, vector<1x224x96xbf16>, vector<1x224x96xbf16>, vector<1x224x96xbf16>, vector<1x224x96xbf16>, vector<1x224x96xbf16> -> vector<8x224x96xbf16>
    %broadcast_in_dim3A_60 = arith.constant 5.000000e-01 : bf16
    %broadcast_in_dim3A_61 = vector.broadcast %broadcast_in_dim3A_60 : bf16 to vector<8x224x1xbf16>
    %get3A_62 = arith.constant 1 : index
    %get3A_63 = memref.load %arg2[%get3A_62] : memref<3xf32, #tpu.memory_space<smem>>
    %convert_element_type3A_64 = arith.truncf %get3A_63 : f32 to bf16
    %broadcast_in_dim3A_65 = vector.broadcast %convert_element_type3A_64 : bf16 to vector<8x224x1xbf16>
    %concatenate3A_66 = tpu.concatenate %concatenate3A, %broadcast_in_dim3A_61, %broadcast_in_dim3A_65 in 2 : vector<8x224x96xbf16>, vector<8x224x1xbf16>, vector<8x224x1xbf16> -> vector<8x224x98xbf16>
    %swap3A = arith.constant 0 : index
    %swap3A_67 = arith.constant 0 : index
    %swap3A_68 = arith.constant 0 : index
    %swap3A_69 = arith.constant 0 : index
    %swap3A_70 = vector.load %arg3[%swap3A, %swap3A_67, %swap3A_68, %swap3A_69] : memref<8x224x2x98xbf16, #tpu.memory_space<vmem>>, vector<8x224x1x98xbf16>
    %swap3A_71 = vector.shape_cast %swap3A_70 : vector<8x224x1x98xbf16> to vector<8x224x98xbf16>
    %swap3A_72 = vector.shape_cast %concatenate3A_66 : vector<8x224x98xbf16> to vector<8x224x1x98xbf16>
    tpu.vector_store %arg3[%swap3A, %swap3A_67, %swap3A_68, %swap3A_69], %swap3A_72 {strides = array<i32>} : memref<8x224x2x98xbf16, #tpu.memory_space<vmem>>, vector<8x224x1x98xbf16>,
    %get3A_73 = arith.constant 1 : index
    %get3A_74 = arith.constant 0 : index
    %get3A_75 = arith.constant 0 : index
    %get3A_76 = arith.constant 0 : index
    %get3A_77 = vector.load %arg1[%get3A_73, %get3A_74, %get3A_75, %get3A_76] : memref<2x96x8x224xf32, #tpu.memory_space<vmem>>, vector<1x96x8x224xf32>
    %get3A_78 = vector.shape_cast %get3A_77 : vector<1x96x8x224xf32> to vector<96x8x224xf32>
    %mul3A_79 = arith.constant 9.900000e-01 : f32
    %mul3A_80 = vector.broadcast %mul3A_79 : f32 to vector<96x8x224xf32>
    %mul3A_81 = arith.mulf %get3A_78, %mul3A_80 : vector<96x8x224xf32>
    %div3A_82 = vector.broadcast %get3A_0 : f32 to vector<96x8x224xf32>
    %div3A_83 = arith.divf %mul3A_81, %div3A_82 : vector<96x8x224xf32>
    %convert_element_type3A_84 = arith.truncf %div3A_83 : vector<96x8x224xf32> to vector<96x8x224xbf16>
    %slice3A_85 = vector.extract_strided_slice %convert_element_type3A_84 {offsets = [0, 0, 0], sizes = [96, 1, 224], strides = [1, 1, 1]} : vector<96x8x224xbf16> to vector<96x1x224xbf16>
    %squeeze3A_86 = vector.shape_cast %slice3A_85 : vector<96x1x224xbf16> to vector<96x224xbf16>
    %dot_general3A_87 = arith.constant dense<0.000000e+00> : vector<224x96xf32>
    %dot_general3A_88 = tpu.matmul %squeeze3A_86, %convert_element_type3A_5, %dot_general3A_87 {dimension_numbers = #tpu.dot_dimension_numbers<[0], [0], [1], [1], [0, 1, 1, 1], [], []>, transpose_lhs_hint = false} : vector<96x224xbf16>, vector<96x96xbf16>, vector<224x96xf32> -> vector<224x96xf32>
    %convert_element_type3A_89 = arith.truncf %dot_general3A_88 : vector<224x96xf32> to vector<224x96xbf16>
    %broadcast_in_dim3A_90 = vector.shape_cast %convert_element_type3A_89 : vector<224x96xbf16> to vector<1x224x96xbf16>
    %slice3A_91 = vector.extract_strided_slice %convert_element_type3A_84 {offsets = [0, 1, 0], sizes = [96, 1, 224], strides = [1, 1, 1]} : vector<96x8x224xbf16> to vector<96x1x224xbf16>
    %squeeze3A_92 = vector.shape_cast %slice3A_91 : vector<96x1x224xbf16> to vector<96x224xbf16>
    %dot_general3A_93 = arith.constant dense<0.000000e+00> : vector<224x96xf32>
    %dot_general3A_94 = tpu.matmul %squeeze3A_92, %convert_element_type3A_5, %dot_general3A_93 {dimension_numbers = #tpu.dot_dimension_numbers<[0], [0], [1], [1], [0, 1, 1, 1], [], []>, transpose_lhs_hint = false} : vector<96x224xbf16>, vector<96x96xbf16>, vector<224x96xf32> -> vector<224x96xf32>
    %convert_element_type3A_95 = arith.truncf %dot_general3A_94 : vector<224x96xf32> to vector<224x96xbf16>
    %broadcast_in_dim3A_96 = vector.shape_cast %convert_element_type3A_95 : vector<224x96xbf16> to vector<1x224x96xbf16>
    %slice3A_97 = vector.extract_strided_slice %convert_element_type3A_84 {offsets = [0, 2, 0], sizes = [96, 1, 224], strides = [1, 1, 1]} : vector<96x8x224xbf16> to vector<96x1x224xbf16>
    %squeeze3A_98 = vector.shape_cast %slice3A_97 : vector<96x1x224xbf16> to vector<96x224xbf16>
    %dot_general3A_99 = arith.constant dense<0.000000e+00> : vector<224x96xf32>
    %dot_general3A_100 = tpu.matmul %squeeze3A_98, %convert_element_type3A_5, %dot_general3A_99 {dimension_numbers = #tpu.dot_dimension_numbers<[0], [0], [1], [1], [0, 1, 1, 1], [], []>, transpose_lhs_hint = false} : vector<96x224xbf16>, vector<96x96xbf16>, vector<224x96xf32> -> vector<224x96xf32>
    %convert_element_type3A_101 = arith.truncf %dot_general3A_100 : vector<224x96xf32> to vector<224x96xbf16>
    %broadcast_in_dim3A_102 = vector.shape_cast %convert_element_type3A_101 : vector<224x96xbf16> to vector<1x224x96xbf16>
    %slice3A_103 = vector.extract_strided_slice %convert_element_type3A_84 {offsets = [0, 3, 0], sizes = [96, 1, 224], strides = [1, 1, 1]} : vector<96x8x224xbf16> to vector<96x1x224xbf16>
    %squeeze3A_104 = vector.shape_cast %slice3A_103 : vector<96x1x224xbf16> to vector<96x224xbf16>
    %dot_general3A_105 = arith.constant dense<0.000000e+00> : vector<224x96xf32>
    %dot_general3A_106 = tpu.matmul %squeeze3A_104, %convert_element_type3A_5, %dot_general3A_105 {dimension_numbers = #tpu.dot_dimension_numbers<[0], [0], [1], [1], [0, 1, 1, 1], [], []>, transpose_lhs_hint = false} : vector<96x224xbf16>, vector<96x96xbf16>, vector<224x96xf32> -> vector<224x96xf32>
    %convert_element_type3A_107 = arith.truncf %dot_general3A_106 : vector<224x96xf32> to vector<224x96xbf16>
    %broadcast_in_dim3A_108 = vector.shape_cast %convert_element_type3A_107 : vector<224x96xbf16> to vector<1x224x96xbf16>
    %slice3A_109 = vector.extract_strided_slice %convert_element_type3A_84 {offsets = [0, 4, 0], sizes = [96, 1, 224], strides = [1, 1, 1]} : vector<96x8x224xbf16> to vector<96x1x224xbf16>
    %squeeze3A_110 = vector.shape_cast %slice3A_109 : vector<96x1x224xbf16> to vector<96x224xbf16>
    %dot_general3A_111 = arith.constant dense<0.000000e+00> : vector<224x96xf32>
    %dot_general3A_112 = tpu.matmul %squeeze3A_110, %convert_element_type3A_5, %dot_general3A_111 {dimension_numbers = #tpu.dot_dimension_numbers<[0], [0], [1], [1], [0, 1, 1, 1], [], []>, transpose_lhs_hint = false} : vector<96x224xbf16>, vector<96x96xbf16>, vector<224x96xf32> -> vector<224x96xf32>
    %convert_element_type3A_113 = arith.truncf %dot_general3A_112 : vector<224x96xf32> to vector<224x96xbf16>
    %broadcast_in_dim3A_114 = vector.shape_cast %convert_element_type3A_113 : vector<224x96xbf16> to vector<1x224x96xbf16>
    %slice3A_115 = vector.extract_strided_slice %convert_element_type3A_84 {offsets = [0, 5, 0], sizes = [96, 1, 224], strides = [1, 1, 1]} : vector<96x8x224xbf16> to vector<96x1x224xbf16>
    %squeeze3A_116 = vector.shape_cast %slice3A_115 : vector<96x1x224xbf16> to vector<96x224xbf16>
    %dot_general3A_117 = arith.constant dense<0.000000e+00> : vector<224x96xf32>
    %dot_general3A_118 = tpu.matmul %squeeze3A_116, %convert_element_type3A_5, %dot_general3A_117 {dimension_numbers = #tpu.dot_dimension_numbers<[0], [0], [1], [1], [0, 1, 1, 1], [], []>, transpose_lhs_hint = false} : vector<96x224xbf16>, vector<96x96xbf16>, vector<224x96xf32> -> vector<224x96xf32>
    %convert_element_type3A_119 = arith.truncf %dot_general3A_118 : vector<224x96xf32> to vector<224x96xbf16>
    %broadcast_in_dim3A_120 = vector.shape_cast %convert_element_type3A_119 : vector<224x96xbf16> to vector<1x224x96xbf16>
    %slice3A_121 = vector.extract_strided_slice %convert_element_type3A_84 {offsets = [0, 6, 0], sizes = [96, 1, 224], strides = [1, 1, 1]} : vector<96x8x224xbf16> to vector<96x1x224xbf16>
    %squeeze3A_122 = vector.shape_cast %slice3A_121 : vector<96x1x224xbf16> to vector<96x224xbf16>
    %dot_general3A_123 = arith.constant dense<0.000000e+00> : vector<224x96xf32>
    %dot_general3A_124 = tpu.matmul %squeeze3A_122, %convert_element_type3A_5, %dot_general3A_123 {dimension_numbers = #tpu.dot_dimension_numbers<[0], [0], [1], [1], [0, 1, 1, 1], [], []>, transpose_lhs_hint = false} : vector<96x224xbf16>, vector<96x96xbf16>, vector<224x96xf32> -> vector<224x96xf32>
    %convert_element_type3A_125 = arith.truncf %dot_general3A_124 : vector<224x96xf32> to vector<224x96xbf16>
    %broadcast_in_dim3A_126 = vector.shape_cast %convert_element_type3A_125 : vector<224x96xbf16> to vector<1x224x96xbf16>
    %slice3A_127 = vector.extract_strided_slice %convert_element_type3A_84 {offsets = [0, 7, 0], sizes = [96, 1, 224], strides = [1, 1, 1]} : vector<96x8x224xbf16> to vector<96x1x224xbf16>
    %squeeze3A_128 = vector.shape_cast %slice3A_127 : vector<96x1x224xbf16> to vector<96x224xbf16>
    %dot_general3A_129 = arith.constant dense<0.000000e+00> : vector<224x96xf32>
    %dot_general3A_130 = tpu.matmul %squeeze3A_128, %convert_element_type3A_5, %dot_general3A_129 {dimension_numbers = #tpu.dot_dimension_numbers<[0], [0], [1], [1], [0, 1, 1, 1], [], []>, transpose_lhs_hint = false} : vector<96x224xbf16>, vector<96x96xbf16>, vector<224x96xf32> -> vector<224x96xf32>
    %convert_element_type3A_131 = arith.truncf %dot_general3A_130 : vector<224x96xf32> to vector<224x96xbf16>
    %broadcast_in_dim3A_132 = vector.shape_cast %convert_element_type3A_131 : vector<224x96xbf16> to vector<1x224x96xbf16>
    %concatenate3A_133 = tpu.concatenate %broadcast_in_dim3A_90, %broadcast_in_dim3A_96, %broadcast_in_dim3A_102, %broadcast_in_dim3A_108, %broadcast_in_dim3A_114, %broadcast_in_dim3A_120, %broadcast_in_dim3A_126, %broadcast_in_dim3A_132 in 0 : vector<1x224x96xbf16>, vector<1x224x96xbf16>, vector<1x224x96xbf16>, vector<1x224x96xbf16>, vector<1x224x96xbf16>, vector<1x224x96xbf16>, vector<1x224x96xbf16>, vector<1x224x96xbf16> -> vector<8x224x96xbf16>
    %broadcast_in_dim3A_134 = arith.constant 5.000000e-01 : bf16
    %broadcast_in_dim3A_135 = vector.broadcast %broadcast_in_dim3A_134 : bf16 to vector<8x224x1xbf16>
    %get3A_136 = arith.constant 2 : index
    %get3A_137 = memref.load %arg2[%get3A_136] : memref<3xf32, #tpu.memory_space<smem>>
    %convert_element_type3A_138 = arith.truncf %get3A_137 : f32 to bf16
    %broadcast_in_dim3A_139 = vector.broadcast %convert_element_type3A_138 : bf16 to vector<8x224x1xbf16>
    %concatenate3A_140 = tpu.concatenate %concatenate3A_133, %broadcast_in_dim3A_135, %broadcast_in_dim3A_139 in 2 : vector<8x224x96xbf16>, vector<8x224x1xbf16>, vector<8x224x1xbf16> -> vector<8x224x98xbf16>
    %swap3A_141 = arith.constant 0 : index
    %swap3A_142 = arith.constant 0 : index
    %swap3A_143 = arith.constant 1 : index
    %swap3A_144 = arith.constant 0 : index
    %swap3A_145 = vector.load %arg3[%swap3A_141, %swap3A_142, %swap3A_143, %swap3A_144] : memref<8x224x2x98xbf16, #tpu.memory_space<vmem>>, vector<8x224x1x98xbf16>
    %swap3A_146 = vector.shape_cast %swap3A_145 : vector<8x224x1x98xbf16> to vector<8x224x98xbf16>
    %swap3A_147 = vector.shape_cast %concatenate3A_140 : vector<8x224x98xbf16> to vector<8x224x1x98xbf16>
    tpu.vector_store %arg3[%swap3A_141, %swap3A_142, %swap3A_143, %swap3A_144], %swap3A_147 {strides = array<i32>} : memref<8x224x2x98xbf16, #tpu.memory_space<vmem>>, vector<8x224x1x98xbf16>,
    return
  }
  func.func @transform_0(%arg0: i32) -> (i32, i32, i32, i32) {
    %c0_i32 = arith.constant 0 : i32
    %c0_i32_0 = arith.constant 0 : i32
    %c0_i32_1 = arith.constant 0 : i32
    %c0_i32_2 = arith.constant 0 : i32
    return %c0_i32, %c0_i32_0, %arg0, %c0_i32_1 : i32, i32, i32, i32
  }
  func.func @transform_1(%arg0: i32) -> i32 {
    %c0_i32 = arith.constant 0 : i32
    %c0_i32_0 = arith.constant 0 : i32
    return %c0_i32 : i32
  }
  func.func @transform_2(%arg0: i32) -> (i32, i32, i32, i32) {
    %c0_i32 = arith.constant 0 : i32
    %c0_i32_0 = arith.constant 0 : i32
    %c0_i32_1 = arith.constant 0 : i32
    %c0_i32_2 = arith.constant 0 : i32
    return %arg0, %c0_i32, %c0_i32_0, %c0_i32_1 : i32, i32, i32, i32
  }
}

module attributes {stable_mosaic.version = 14 : i64} {
  func.func @_conv_body(%arg0: i32, %arg1: i32, %arg2: i32, %arg3: memref<3x3x64x96xbf16, #tpu.memory_space<vmem>>, %arg4: memref<1x96x32x224xf32, #tpu.memory_space<vmem>>, %arg5: memref<1x96x8x224xf32, #tpu.memory_space<vmem>>, %arg6: memref<1x64x16x112xf32, #tpu.memory_space<vmem>>) attributes {dimension_semantics = [#tpu.dimension_semantics<parallel>, #tpu.dimension_semantics<arbitrary>, #tpu.dimension_semantics<arbitrary>], iteration_bounds = array<i64: 2, 7, 3>, scalar_prefetch = 0 : i64, scratch_operands = 0 : i64, tpu.core_type = #tpu.core_type<tc>, window_params = [{transform_indices = @transform_0, window_bounds = array<i64: 3, 3, 64, 96>}, {transform_indices = @transform_1, window_bounds = array<i64: 1, 96, 32, 224>}, {transform_indices = @transform_2, window_bounds = array<i64: 1, 96, 8, 224>}, {transform_indices = @transform_3, window_bounds = array<i64: 1, 64, 16, 112>}]} {
    %get3A = arith.constant 0 : index
    %get3A_0 = arith.constant 0 : index
    %get3A_1 = arith.constant 0 : index
    %get3A_2 = arith.constant 0 : index
    %get3A_3 = vector.load %arg4[%get3A, %get3A_0, %get3A_1, %get3A_2] : memref<1x96x32x224xf32, #tpu.memory_space<vmem>>, vector<1x96x32x224xf32>
    %get3A_4 = vector.shape_cast %get3A_3 : vector<1x96x32x224xf32> to vector<96x32x224xf32>
    %slice3A = vector.extract_strided_slice %get3A_4 {offsets = [0, 0, 0], sizes = [96, 1, 224], strides = [1, 1, 1]} : vector<96x32x224xf32> to vector<96x1x224xf32>
    %slice3A_5 = vector.extract_strided_slice %get3A_4 {offsets = [0, 2, 0], sizes = [96, 1, 224], strides = [1, 1, 1]} : vector<96x32x224xf32> to vector<96x1x224xf32>
    %slice3A_6 = vector.extract_strided_slice %get3A_4 {offsets = [0, 4, 0], sizes = [96, 1, 224], strides = [1, 1, 1]} : vector<96x32x224xf32> to vector<96x1x224xf32>
    %slice3A_7 = vector.extract_strided_slice %get3A_4 {offsets = [0, 6, 0], sizes = [96, 1, 224], strides = [1, 1, 1]} : vector<96x32x224xf32> to vector<96x1x224xf32>
    %slice3A_8 = vector.extract_strided_slice %get3A_4 {offsets = [0, 8, 0], sizes = [96, 1, 224], strides = [1, 1, 1]} : vector<96x32x224xf32> to vector<96x1x224xf32>
    %slice3A_9 = vector.extract_strided_slice %get3A_4 {offsets = [0, 10, 0], sizes = [96, 1, 224], strides = [1, 1, 1]} : vector<96x32x224xf32> to vector<96x1x224xf32>
    %slice3A_10 = vector.extract_strided_slice %get3A_4 {offsets = [0, 12, 0], sizes = [96, 1, 224], strides = [1, 1, 1]} : vector<96x32x224xf32> to vector<96x1x224xf32>
    %slice3A_11 = vector.extract_strided_slice %get3A_4 {offsets = [0, 14, 0], sizes = [96, 1, 224], strides = [1, 1, 1]} : vector<96x32x224xf32> to vector<96x1x224xf32>
    %slice3A_12 = vector.extract_strided_slice %get3A_4 {offsets = [0, 16, 0], sizes = [96, 1, 224], strides = [1, 1, 1]} : vector<96x32x224xf32> to vector<96x1x224xf32>
    %slice3A_13 = vector.extract_strided_slice %get3A_4 {offsets = [0, 18, 0], sizes = [96, 1, 224], strides = [1, 1, 1]} : vector<96x32x224xf32> to vector<96x1x224xf32>
    %slice3A_14 = vector.extract_strided_slice %get3A_4 {offsets = [0, 20, 0], sizes = [96, 1, 224], strides = [1, 1, 1]} : vector<96x32x224xf32> to vector<96x1x224xf32>
    %slice3A_15 = vector.extract_strided_slice %get3A_4 {offsets = [0, 22, 0], sizes = [96, 1, 224], strides = [1, 1, 1]} : vector<96x32x224xf32> to vector<96x1x224xf32>
    %slice3A_16 = vector.extract_strided_slice %get3A_4 {offsets = [0, 24, 0], sizes = [96, 1, 224], strides = [1, 1, 1]} : vector<96x32x224xf32> to vector<96x1x224xf32>
    %slice3A_17 = vector.extract_strided_slice %get3A_4 {offsets = [0, 26, 0], sizes = [96, 1, 224], strides = [1, 1, 1]} : vector<96x32x224xf32> to vector<96x1x224xf32>
    %slice3A_18 = vector.extract_strided_slice %get3A_4 {offsets = [0, 28, 0], sizes = [96, 1, 224], strides = [1, 1, 1]} : vector<96x32x224xf32> to vector<96x1x224xf32>
    %slice3A_19 = vector.extract_strided_slice %get3A_4 {offsets = [0, 30, 0], sizes = [96, 1, 224], strides = [1, 1, 1]} : vector<96x32x224xf32> to vector<96x1x224xf32>
    %concatenate3A = tpu.concatenate %slice3A, %slice3A_5, %slice3A_6, %slice3A_7, %slice3A_8, %slice3A_9, %slice3A_10, %slice3A_11, %slice3A_12, %slice3A_13, %slice3A_14, %slice3A_15, %slice3A_16, %slice3A_17, %slice3A_18, %slice3A_19 in 1 : vector<96x1x224xf32>, vector<96x1x224xf32>, vector<96x1x224xf32>, vector<96x1x224xf32>, vector<96x1x224xf32>, vector<96x1x224xf32>, vector<96x1x224xf32>, vector<96x1x224xf32>, vector<96x1x224xf32>, vector<96x1x224xf32>, vector<96x1x224xf32>, vector<96x1x224xf32>, vector<96x1x224xf32>, vector<96x1x224xf32>, vector<96x1x224xf32>, vector<96x1x224xf32> -> vector<96x16x224xf32>
    %slice3A_20 = vector.extract_strided_slice %get3A_4 {offsets = [0, 1, 0], sizes = [96, 1, 224], strides = [1, 1, 1]} : vector<96x32x224xf32> to vector<96x1x224xf32>
    %slice3A_21 = vector.extract_strided_slice %get3A_4 {offsets = [0, 3, 0], sizes = [96, 1, 224], strides = [1, 1, 1]} : vector<96x32x224xf32> to vector<96x1x224xf32>
    %slice3A_22 = vector.extract_strided_slice %get3A_4 {offsets = [0, 5, 0], sizes = [96, 1, 224], strides = [1, 1, 1]} : vector<96x32x224xf32> to vector<96x1x224xf32>
    %slice3A_23 = vector.extract_strided_slice %get3A_4 {offsets = [0, 7, 0], sizes = [96, 1, 224], strides = [1, 1, 1]} : vector<96x32x224xf32> to vector<96x1x224xf32>
    %slice3A_24 = vector.extract_strided_slice %get3A_4 {offsets = [0, 9, 0], sizes = [96, 1, 224], strides = [1, 1, 1]} : vector<96x32x224xf32> to vector<96x1x224xf32>
    %slice3A_25 = vector.extract_strided_slice %get3A_4 {offsets = [0, 11, 0], sizes = [96, 1, 224], strides = [1, 1, 1]} : vector<96x32x224xf32> to vector<96x1x224xf32>
    %slice3A_26 = vector.extract_strided_slice %get3A_4 {offsets = [0, 13, 0], sizes = [96, 1, 224], strides = [1, 1, 1]} : vector<96x32x224xf32> to vector<96x1x224xf32>
    %slice3A_27 = vector.extract_strided_slice %get3A_4 {offsets = [0, 15, 0], sizes = [96, 1, 224], strides = [1, 1, 1]} : vector<96x32x224xf32> to vector<96x1x224xf32>
    %slice3A_28 = vector.extract_strided_slice %get3A_4 {offsets = [0, 17, 0], sizes = [96, 1, 224], strides = [1, 1, 1]} : vector<96x32x224xf32> to vector<96x1x224xf32>
    %slice3A_29 = vector.extract_strided_slice %get3A_4 {offsets = [0, 19, 0], sizes = [96, 1, 224], strides = [1, 1, 1]} : vector<96x32x224xf32> to vector<96x1x224xf32>
    %slice3A_30 = vector.extract_strided_slice %get3A_4 {offsets = [0, 21, 0], sizes = [96, 1, 224], strides = [1, 1, 1]} : vector<96x32x224xf32> to vector<96x1x224xf32>
    %slice3A_31 = vector.extract_strided_slice %get3A_4 {offsets = [0, 23, 0], sizes = [96, 1, 224], strides = [1, 1, 1]} : vector<96x32x224xf32> to vector<96x1x224xf32>
    %slice3A_32 = vector.extract_strided_slice %get3A_4 {offsets = [0, 25, 0], sizes = [96, 1, 224], strides = [1, 1, 1]} : vector<96x32x224xf32> to vector<96x1x224xf32>
    %slice3A_33 = vector.extract_strided_slice %get3A_4 {offsets = [0, 27, 0], sizes = [96, 1, 224], strides = [1, 1, 1]} : vector<96x32x224xf32> to vector<96x1x224xf32>
    %slice3A_34 = vector.extract_strided_slice %get3A_4 {offsets = [0, 29, 0], sizes = [96, 1, 224], strides = [1, 1, 1]} : vector<96x32x224xf32> to vector<96x1x224xf32>
    %slice3A_35 = vector.extract_strided_slice %get3A_4 {offsets = [0, 31, 0], sizes = [96, 1, 224], strides = [1, 1, 1]} : vector<96x32x224xf32> to vector<96x1x224xf32>
    %concatenate3A_36 = tpu.concatenate %slice3A_20, %slice3A_21, %slice3A_22, %slice3A_23, %slice3A_24, %slice3A_25, %slice3A_26, %slice3A_27, %slice3A_28, %slice3A_29, %slice3A_30, %slice3A_31, %slice3A_32, %slice3A_33, %slice3A_34, %slice3A_35 in 1 : vector<96x1x224xf32>, vector<96x1x224xf32>, vector<96x1x224xf32>, vector<96x1x224xf32>, vector<96x1x224xf32>, vector<96x1x224xf32>, vector<96x1x224xf32>, vector<96x1x224xf32>, vector<96x1x224xf32>, vector<96x1x224xf32>, vector<96x1x224xf32>, vector<96x1x224xf32>, vector<96x1x224xf32>, vector<96x1x224xf32>, vector<96x1x224xf32>, vector<96x1x224xf32> -> vector<96x16x224xf32>
    %get3A_37 = arith.constant 0 : index
    %get3A_38 = arith.constant 0 : index
    %get3A_39 = arith.constant 7 : index
    %get3A_40 = arith.constant 0 : index
    %get3A_41 = vector.load %arg5[%get3A_37, %get3A_38, %get3A_39, %get3A_40] : memref<1x96x8x224xf32, #tpu.memory_space<vmem>>, vector<1x96x1x224xf32>
    %get3A_42 = vector.shape_cast %get3A_41 : vector<1x96x1x224xf32> to vector<96x1x224xf32>
    %eq3A = arith.constant 0 : i32
    %eq3A_43 = arith.cmpi eq, %arg1, %eq3A : i32
    %broadcast_in_dim3A = arith.constant 0.000000e+00 : f32
    %broadcast_in_dim3A_44 = vector.broadcast %broadcast_in_dim3A : f32 to vector<96x1x224xf32>
    %select_n3A = arith.select %eq3A_43, %broadcast_in_dim3A_44, %get3A_42 : vector<96x1x224xf32>
    %slice3A_45 = vector.extract_strided_slice %concatenate3A_36 {offsets = [0, 0, 0], sizes = [96, 15, 224], strides = [1, 1, 1]} : vector<96x16x224xf32> to vector<96x15x224xf32>
    %concatenate3A_46 = tpu.concatenate %select_n3A, %slice3A_45 in 1 : vector<96x1x224xf32>, vector<96x15x224xf32> -> vector<96x16x224xf32>
    %get3A_47 = arith.constant 0 : index
    %get3A_48 = arith.constant 0 : index
    %get3A_49 = arith.constant 0 : index
    %get3A_50 = arith.constant 0 : index
    %get3A_51 = vector.load %arg3[%get3A_47, %get3A_48, %get3A_49, %get3A_50] : memref<3x3x64x96xbf16, #tpu.memory_space<vmem>>, vector<3x3x64x96xbf16>
    %slice3A_52 = vector.extract_strided_slice %get3A_51 {offsets = [0, 0, 0, 0], sizes = [1, 1, 64, 96], strides = [1, 1, 1, 1]} : vector<3x3x64x96xbf16> to vector<1x1x64x96xbf16>
    %squeeze3A = vector.shape_cast %slice3A_52 : vector<1x1x64x96xbf16> to vector<64x96xbf16>
    %reshape3A = vector.shape_cast %concatenate3A_46 : vector<96x16x224xf32> to vector<96x3584xf32>
    %convert_element_type3A = arith.truncf %reshape3A : vector<96x3584xf32> to vector<96x3584xbf16>
    %dot_general3A = arith.constant dense<0.000000e+00> : vector<64x3584xf32>
    %dot_general3A_53 = tpu.matmul %squeeze3A, %convert_element_type3A, %dot_general3A {dimension_numbers = #tpu.dot_dimension_numbers<[1], [0], [0], [1], [0, 0, 1, 1], [], []>, transpose_lhs_hint = false} : vector<64x96xbf16>, vector<96x3584xbf16>, vector<64x3584xf32> -> vector<64x3584xf32>
    %slice3A_54 = vector.extract_strided_slice %get3A_51 {offsets = [1, 0, 0, 0], sizes = [1, 1, 64, 96], strides = [1, 1, 1, 1]} : vector<3x3x64x96xbf16> to vector<1x1x64x96xbf16>
    %squeeze3A_55 = vector.shape_cast %slice3A_54 : vector<1x1x64x96xbf16> to vector<64x96xbf16>
    %reshape3A_56 = vector.shape_cast %concatenate3A : vector<96x16x224xf32> to vector<96x3584xf32>
    %convert_element_type3A_57 = arith.truncf %reshape3A_56 : vector<96x3584xf32> to vector<96x3584xbf16>
    %dot_general3A_58 = arith.constant dense<0.000000e+00> : vector<64x3584xf32>
    %dot_general3A_59 = tpu.matmul %squeeze3A_55, %convert_element_type3A_57, %dot_general3A_58 {dimension_numbers = #tpu.dot_dimension_numbers<[1], [0], [0], [1], [0, 0, 1, 1], [], []>, transpose_lhs_hint = false} : vector<64x96xbf16>, vector<96x3584xbf16>, vector<64x3584xf32> -> vector<64x3584xf32>
    %add3A = arith.addf %dot_general3A_53, %dot_general3A_59 : vector<64x3584xf32>
    %slice3A_60 = vector.extract_strided_slice %get3A_51 {offsets = [2, 0, 0, 0], sizes = [1, 1, 64, 96], strides = [1, 1, 1, 1]} : vector<3x3x64x96xbf16> to vector<1x1x64x96xbf16>
    %squeeze3A_61 = vector.shape_cast %slice3A_60 : vector<1x1x64x96xbf16> to vector<64x96xbf16>
    %reshape3A_62 = vector.shape_cast %concatenate3A_36 : vector<96x16x224xf32> to vector<96x3584xf32>
    %convert_element_type3A_63 = arith.truncf %reshape3A_62 : vector<96x3584xf32> to vector<96x3584xbf16>
    %dot_general3A_64 = arith.constant dense<0.000000e+00> : vector<64x3584xf32>
    %dot_general3A_65 = tpu.matmul %squeeze3A_61, %convert_element_type3A_63, %dot_general3A_64 {dimension_numbers = #tpu.dot_dimension_numbers<[1], [0], [0], [1], [0, 0, 1, 1], [], []>, transpose_lhs_hint = false} : vector<64x96xbf16>, vector<96x3584xbf16>, vector<64x3584xf32> -> vector<64x3584xf32>
    %add3A_66 = arith.addf %add3A, %dot_general3A_65 : vector<64x3584xf32>
    %slice3A_67 = vector.extract_strided_slice %get3A_51 {offsets = [0, 1, 0, 0], sizes = [1, 1, 64, 96], strides = [1, 1, 1, 1]} : vector<3x3x64x96xbf16> to vector<1x1x64x96xbf16>
    %squeeze3A_68 = vector.shape_cast %slice3A_67 : vector<1x1x64x96xbf16> to vector<64x96xbf16>
    %reshape3A_69 = vector.shape_cast %concatenate3A_46 : vector<96x16x224xf32> to vector<96x3584xf32>
    %convert_element_type3A_70 = arith.truncf %reshape3A_69 : vector<96x3584xf32> to vector<96x3584xbf16>
    %dot_general3A_71 = arith.constant dense<0.000000e+00> : vector<64x3584xf32>
    %dot_general3A_72 = tpu.matmul %squeeze3A_68, %convert_element_type3A_70, %dot_general3A_71 {dimension_numbers = #tpu.dot_dimension_numbers<[1], [0], [0], [1], [0, 0, 1, 1], [], []>, transpose_lhs_hint = false} : vector<64x96xbf16>, vector<96x3584xbf16>, vector<64x3584xf32> -> vector<64x3584xf32>
    %slice3A_73 = vector.extract_strided_slice %get3A_51 {offsets = [1, 1, 0, 0], sizes = [1, 1, 64, 96], strides = [1, 1, 1, 1]} : vector<3x3x64x96xbf16> to vector<1x1x64x96xbf16>
    %squeeze3A_74 = vector.shape_cast %slice3A_73 : vector<1x1x64x96xbf16> to vector<64x96xbf16>
    %reshape3A_75 = vector.shape_cast %concatenate3A : vector<96x16x224xf32> to vector<96x3584xf32>
    %convert_element_type3A_76 = arith.truncf %reshape3A_75 : vector<96x3584xf32> to vector<96x3584xbf16>
    %dot_general3A_77 = arith.constant dense<0.000000e+00> : vector<64x3584xf32>
    %dot_general3A_78 = tpu.matmul %squeeze3A_74, %convert_element_type3A_76, %dot_general3A_77 {dimension_numbers = #tpu.dot_dimension_numbers<[1], [0], [0], [1], [0, 0, 1, 1], [], []>, transpose_lhs_hint = false} : vector<64x96xbf16>, vector<96x3584xbf16>, vector<64x3584xf32> -> vector<64x3584xf32>
    %add3A_79 = arith.addf %dot_general3A_72, %dot_general3A_78 : vector<64x3584xf32>
    %slice3A_80 = vector.extract_strided_slice %get3A_51 {offsets = [2, 1, 0, 0], sizes = [1, 1, 64, 96], strides = [1, 1, 1, 1]} : vector<3x3x64x96xbf16> to vector<1x1x64x96xbf16>
    %squeeze3A_81 = vector.shape_cast %slice3A_80 : vector<1x1x64x96xbf16> to vector<64x96xbf16>
    %reshape3A_82 = vector.shape_cast %concatenate3A_36 : vector<96x16x224xf32> to vector<96x3584xf32>
    %convert_element_type3A_83 = arith.truncf %reshape3A_82 : vector<96x3584xf32> to vector<96x3584xbf16>
    %dot_general3A_84 = arith.constant dense<0.000000e+00> : vector<64x3584xf32>
    %dot_general3A_85 = tpu.matmul %squeeze3A_81, %convert_element_type3A_83, %dot_general3A_84 {dimension_numbers = #tpu.dot_dimension_numbers<[1], [0], [0], [1], [0, 0, 1, 1], [], []>, transpose_lhs_hint = false} : vector<64x96xbf16>, vector<96x3584xbf16>, vector<64x3584xf32> -> vector<64x3584xf32>
    %add3A_86 = arith.addf %add3A_79, %dot_general3A_85 : vector<64x3584xf32>
    %slice3A_87 = vector.extract_strided_slice %get3A_51 {offsets = [0, 2, 0, 0], sizes = [1, 1, 64, 96], strides = [1, 1, 1, 1]} : vector<3x3x64x96xbf16> to vector<1x1x64x96xbf16>
    %squeeze3A_88 = vector.shape_cast %slice3A_87 : vector<1x1x64x96xbf16> to vector<64x96xbf16>
    %reshape3A_89 = vector.shape_cast %concatenate3A_46 : vector<96x16x224xf32> to vector<96x3584xf32>
    %convert_element_type3A_90 = arith.truncf %reshape3A_89 : vector<96x3584xf32> to vector<96x3584xbf16>
    %dot_general3A_91 = arith.constant dense<0.000000e+00> : vector<64x3584xf32>
    %dot_general3A_92 = tpu.matmul %squeeze3A_88, %convert_element_type3A_90, %dot_general3A_91 {dimension_numbers = #tpu.dot_dimension_numbers<[1], [0], [0], [1], [0, 0, 1, 1], [], []>, transpose_lhs_hint = false} : vector<64x96xbf16>, vector<96x3584xbf16>, vector<64x3584xf32> -> vector<64x3584xf32>
    %slice3A_93 = vector.extract_strided_slice %get3A_51 {offsets = [1, 2, 0, 0], sizes = [1, 1, 64, 96], strides = [1, 1, 1, 1]} : vector<3x3x64x96xbf16> to vector<1x1x64x96xbf16>
    %squeeze3A_94 = vector.shape_cast %slice3A_93 : vector<1x1x64x96xbf16> to vector<64x96xbf16>
    %reshape3A_95 = vector.shape_cast %concatenate3A : vector<96x16x224xf32> to vector<96x3584xf32>
    %convert_element_type3A_96 = arith.truncf %reshape3A_95 : vector<96x3584xf32> to vector<96x3584xbf16>
    %dot_general3A_97 = arith.constant dense<0.000000e+00> : vector<64x3584xf32>
    %dot_general3A_98 = tpu.matmul %squeeze3A_94, %convert_element_type3A_96, %dot_general3A_97 {dimension_numbers = #tpu.dot_dimension_numbers<[1], [0], [0], [1], [0, 0, 1, 1], [], []>, transpose_lhs_hint = false} : vector<64x96xbf16>, vector<96x3584xbf16>, vector<64x3584xf32> -> vector<64x3584xf32>
    %add3A_99 = arith.addf %dot_general3A_92, %dot_general3A_98 : vector<64x3584xf32>
    %slice3A_100 = vector.extract_strided_slice %get3A_51 {offsets = [2, 2, 0, 0], sizes = [1, 1, 64, 96], strides = [1, 1, 1, 1]} : vector<3x3x64x96xbf16> to vector<1x1x64x96xbf16>
    %squeeze3A_101 = vector.shape_cast %slice3A_100 : vector<1x1x64x96xbf16> to vector<64x96xbf16>
    %reshape3A_102 = vector.shape_cast %concatenate3A_36 : vector<96x16x224xf32> to vector<96x3584xf32>
    %convert_element_type3A_103 = arith.truncf %reshape3A_102 : vector<96x3584xf32> to vector<96x3584xbf16>
    %dot_general3A_104 = arith.constant dense<0.000000e+00> : vector<64x3584xf32>
    %dot_general3A_105 = tpu.matmul %squeeze3A_101, %convert_element_type3A_103, %dot_general3A_104 {dimension_numbers = #tpu.dot_dimension_numbers<[1], [0], [0], [1], [0, 0, 1, 1], [], []>, transpose_lhs_hint = false} : vector<64x96xbf16>, vector<96x3584xbf16>, vector<64x3584xf32> -> vector<64x3584xf32>
    %add3A_106 = arith.addf %add3A_99, %dot_general3A_105 : vector<64x3584xf32>
    %reshape3A_107 = vector.shape_cast %add3A_66 : vector<64x3584xf32> to vector<64x16x224xf32>
    %reshape3A_108 = vector.shape_cast %add3A_86 : vector<64x3584xf32> to vector<64x16x224xf32>
    %reshape3A_109 = vector.shape_cast %add3A_106 : vector<64x3584xf32> to vector<64x16x224xf32>
    %broadcast_in_dim3A_110 = arith.constant 0.000000e+00 : f32
    %broadcast_in_dim3A_111 = vector.broadcast %broadcast_in_dim3A_110 : f32 to vector<64x16x2xf32>
    %slice3A_112 = vector.extract_strided_slice %reshape3A_107 {offsets = [0, 0, 0], sizes = [64, 16, 222], strides = [1, 1, 1]} : vector<64x16x224xf32> to vector<64x16x222xf32>
    %concatenate3A_113 = tpu.concatenate %broadcast_in_dim3A_111, %slice3A_112 in 2 : vector<64x16x2xf32>, vector<64x16x222xf32> -> vector<64x16x224xf32>
    %add3A_114 = arith.addf %reshape3A_109, %concatenate3A_113 : vector<64x16x224xf32>
    %concatenate3A_115 = tpu.concatenate %reshape3A_108, %add3A_114 in 2 : vector<64x16x224xf32>, vector<64x16x224xf32> -> vector<64x16x448xf32>
    %reshape3A_116 = vector.shape_cast %concatenate3A_115 : vector<64x16x448xf32> to vector<1024x448xf32>
    %iota3A = tpu.iota {dimensions = array<i32: 0>} : vector<448x112xi32>
    %iota3A_117 = tpu.iota {dimensions = array<i32: 1>} : vector<448x112xi32>
    %mul3A = arith.constant 2 : i32
    %mul3A_118 = vector.broadcast %mul3A : i32 to vector<448x112xi32>
    %mul3A_119 = arith.muli %mul3A_118, %iota3A_117 : vector<448x112xi32>
    %eq3A_120 = arith.cmpi eq, %iota3A, %mul3A_119 : vector<448x112xi32>
    %mul3A_121 = arith.constant 2 : i32
    %mul3A_122 = vector.broadcast %mul3A_121 : i32 to vector<448x112xi32>
    %mul3A_123 = arith.muli %mul3A_122, %iota3A_117 : vector<448x112xi32>
    %add3A_124 = arith.constant 1 : i32
    %add3A_125 = vector.broadcast %add3A_124 : i32 to vector<448x112xi32>
    %add3A_126 = arith.addi %mul3A_123, %add3A_125 : vector<448x112xi32>
    %add3A_127 = arith.constant 224 : i32
    %add3A_128 = vector.broadcast %add3A_127 : i32 to vector<448x112xi32>
    %add3A_129 = arith.addi %add3A_126, %add3A_128 : vector<448x112xi32>
    %eq3A_130 = arith.cmpi eq, %iota3A, %add3A_129 : vector<448x112xi32>
    %or3A = arith.ori %eq3A_120, %eq3A_130 : vector<448x112xi1>
    %convert_element_type3A_131 = arith.extui %or3A : vector<448x112xi1> to vector<448x112xi32>
    %convert_element_type3A_132 = arith.sitofp %convert_element_type3A_131 : vector<448x112xi32> to vector<448x112xf32>
    %dot_general3A_133 = arith.constant dense<0.000000e+00> : vector<1024x112xf32>
    %dot_general3A_134 = tpu.matmul %reshape3A_116, %convert_element_type3A_132, %dot_general3A_133 {dimension_numbers = #tpu.dot_dimension_numbers<[1], [0], [0], [1], [0, 0, 1, 1], [], []>, transpose_lhs_hint = false} : vector<1024x448xf32>, vector<448x112xf32>, vector<1024x112xf32> -> vector<1024x112xf32>
    %reshape3A_135 = vector.shape_cast %dot_general3A_134 : vector<1024x112xf32> to vector<64x16x112xf32>
    %swap3A = arith.constant 0 : index
    %swap3A_136 = arith.constant 0 : index
    %swap3A_137 = arith.constant 0 : index
    %swap3A_138 = arith.constant 0 : index
    %swap3A_139 = vector.load %arg6[%swap3A, %swap3A_136, %swap3A_137, %swap3A_138] : memref<1x64x16x112xf32, #tpu.memory_space<vmem>>, vector<1x64x16x112xf32>
    %swap3A_140 = vector.shape_cast %swap3A_139 : vector<1x64x16x112xf32> to vector<64x16x112xf32>
    %swap3A_141 = vector.shape_cast %reshape3A_135 : vector<64x16x112xf32> to vector<1x64x16x112xf32>
    tpu.vector_store %arg6[%swap3A, %swap3A_136, %swap3A_137, %swap3A_138], %swap3A_141 {strides = array<i32>} : memref<1x64x16x112xf32, #tpu.memory_space<vmem>>, vector<1x64x16x112xf32>,
    return
  }
  func.func @transform_0(%arg0: i32, %arg1: i32, %arg2: i32) -> (i32, i32, i32, i32) {
    %c0_i32 = arith.constant 0 : i32
    %c0_i32_0 = arith.constant 0 : i32
    %c0_i32_1 = arith.constant 0 : i32
    %c0_i32_2 = arith.constant 0 : i32
    return %c0_i32, %c0_i32_0, %arg2, %c0_i32_1 : i32, i32, i32, i32
  }
  func.func @transform_1(%arg0: i32, %arg1: i32, %arg2: i32) -> (i32, i32, i32, i32) {
    %c0_i32 = arith.constant 0 : i32
    %c0_i32_0 = arith.constant 0 : i32
    %c0_i32_1 = arith.constant 0 : i32
    return %arg0, %c0_i32, %arg1, %c0_i32_0 : i32, i32, i32, i32
  }
  func.func @transform_2(%arg0: i32, %arg1: i32, %arg2: i32) -> (i32, i32, i32, i32) {
    %mul3A = arith.constant 4 : i32
    %mul3A_0 = arith.muli %mul3A, %arg1 : i32
    %sub3A = arith.constant 1 : i32
    %sub3A_1 = arith.subi %mul3A_0, %sub3A : i32
    %max3A = arith.constant 0 : i32
    %max3A_2 = arith.maxsi %sub3A_1, %max3A : i32
    %c0_i32 = arith.constant 0 : i32
    %c0_i32_3 = arith.constant 0 : i32
    %c0_i32_4 = arith.constant 0 : i32
    return %arg0, %c0_i32, %max3A_2, %c0_i32_3 : i32, i32, i32, i32
  }
  func.func @transform_3(%arg0: i32, %arg1: i32, %arg2: i32) -> (i32, i32, i32, i32) {
    %c0_i32 = arith.constant 0 : i32
    %c0_i32_0 = arith.constant 0 : i32
    return %arg0, %arg2, %arg1, %c0_i32 : i32, i32, i32, i32
  }
}

</mosaic_0001>

<sc_bundles>
// kernel: scatter_offload_async_start.1
scs
__scs_entry_jumppad:
0x0: {  	(pc) =	sbr.rel $0x88, $3  }
0x1: {  	(tag) =	ssettag $0x0;
	lr =	simm.s32 $0x1  }
0x2: {  	[smem:$0x3F9D] =	sst lr;
	_ =	strace $0xD0000000  }
0x3: {  	_ = 	snop  }
0x4: {  	_ = 	snop  }
0x5: {  	_ = 	snop  }
0x6: {  	_ = 	snop  }
0x7: {  	_ = 	snop  }
__scs_overlays_trampoline_lowered:
0x8: {  	[smem:$0x3FAC] =	sst s0  }
0x9: {  	[smem:$0x3FAD] =	sst s1  }
0xa: {  	[smem:$0x3FAE] =	sst s2  }
0xb: {  	[smem:$0x3FAF] =	sst s3  }
0xc: {  	[smem:$0x3FB0] =	sst s4  }
0xd: {  	[smem:$0x3FB1] =	sst s5  }
0xe: {  	[smem:$0x3FB2] =	sst s6  }
0xf: {  	[smem:$0x3FB3] =	sst s7  }
0x10: {  	[smem:$0x3FB4] =	sst s8  }
0x11: {  	[smem:$0x3FB5] =	sst s9;
	s0 =	simm.s32 @!p0 $0x0  }
0x12: {  	s1 =	sld [smem:$0x3F9B];
	s0 =	simm.s32 @p0 $0x1  }
0x13: {  	[smem:$0x3FB6] =	sst s0;
	s0 =	simm.s32 @!p1 $0x0  }
0x14: {  	s2 =	sld [smem:$0x3F9A];
	s0 =	simm.s32 @p1 $0x1  }
0x15: {  	[smem:$0x3FB7] =	sst s0;
	s0 =	simm.s32 @!p2 $0x0  }
0x16: {  	s3 =	sld [smem:$0x3FDB];
	s0 =	simm.s32 @p2 $0x1  }
0x17: {  	s4 =	simm.s32 $0x1BF5;
	[smem:$0x3FB9] =	sst s0  }
0x18: {  	s0 =	sld [smem:$0x3F9C];
	_ =	swait.ge [sflag:s4], $0x0  }
0x19: {  	s7 =	sld [smem:$0x3F9D]  }
0x1a: {  	s8 =	sadd.s32 $0xFFFFE003, lr  }
0x1b: {  	s9 =	sadd.s32 $0xFFFFFEF7, lr;
	s5 =	simm.s32 $0xFFFFFFFF;
	p2 =	slt.u32 s8, $0xFFFFF086  }
0x1c: {  	p1 =	slt.u32 s9, $0xF7A;
	s5 =	simm.s32 @!p2 $0x0  }
0x1d: {  	s5 =	simm.s32 @p1 $0x1;
	p0 =	seq.s32 s7, s2  }
0x1e: {  	s7 =	smul.u32 @!p0 $0xF7A, s2;
	p2 =	seq.s32 @!p0 s5, $0x0  }
0x1f: {  	s9 =	smul.u32 $0xF7A, s1;
	s8 =	simm.s32 @!p0 $0x1BF5;
	p2 =	por !p2, p0  }
0x20: {  	[sflag:s8] =	ssyncset.s32 @!p0 $0xFFFFF086;
	s6 =	sadd.s32 @!p0 s3, s7;
	s7 =	simm.s32 @!p0 $0x108  }
0x21: {  	s3 =	sadd.s32 s3, s9;
	s6 =	sadd.s32 @!p0 $0x88, s6;
	s7 =	simm.s32 @p2 $0x1082  }
0x22: {  	[simem:s7], [sflag:s8] =	dma.local @!p0 [hbm:s6], $0xF7A  }
0x23: {  	s9 =	sor.u32 $0xD0000000, s2;
	s6 =	simm.s32 $0x108;
	_ =	swait.ge @!p0 [sflag:s8], $0x0  }
0x24: {  	s3 =	sadd.s32 $0x88, s3;
	s6 =	simm.s32 @!p1 $0x1082;
	[sflag:s4] =	ssyncset.s32 $0xFFFFF086  }
0x25: {  	[simem:s6], [sflag:s4] =	dma.local [hbm:s3], $0xF7A  }
0x26: {  	[smem:$0x3F9D] =	sst s1;
	(tag) =	ssettag s2;
	_ =	strace s9  }
0x27: {  	s1 =	sld [smem:$0x3FAD]  }
0x28: {  	s2 =	sld [smem:$0x3FAE]  }
0x29: {  	s4 =	sld [smem:$0x3FB0]  }
0x2a: {  	p0 =	seq.s32 s5, $0x0;
	s5 =	sld [smem:$0x3FB1]  }
0x2b: {  	s6 =	sld [smem:$0x3FB2]  }
0x2c: {  	s7 =	sld [smem:$0x3FB3]  }
0x2d: {  	s3 =	simm.s32 $0x108;
	s8 =	sld [smem:$0x3FB4]  }
0x2e: {  	s3 =	simm.s32 @!p0 $0x1082;
	s9 =	sld [smem:$0x3FB5]  }
0x2f: {  	lr =	sadd.s32 s0, s3;
	s0 =	sld [smem:$0x3FAC]  }
0x30: {  	s3 =	sld [smem:$0x3FAF]  }
0x31: {  	[smem:$0x3FB8] =	sst s10  }
0x32: {  	s10 =	sld [smem:$0x3FB6];
	_ =	sdelay $0x3  }
0x33: {  	p0 =	seq.s32 s10, $0x1;
	s10 =	sld [smem:$0x3FB8];
	_ =	sdelay $0x3  }
0x34: {  	[smem:$0x3FB8] =	sst s10  }
0x35: {  	s10 =	sld [smem:$0x3FB7];
	_ =	sdelay $0x3  }
0x36: {  	p1 =	seq.s32 s10, $0x1;
	s10 =	sld [smem:$0x3FB8];
	_ =	sdelay $0x3  }
0x37: {  	[smem:$0x3FB8] =	sst s10  }
0x38: {  	s10 =	sld [smem:$0x3FB9]  }
0x39: {  	_ = 	snop;
	(pc) =	sbr.ind lr, $3  }
0x3a: {  	_ = 	snop  }
0x3b: {  	_ = 	snop  }
0x3c: {  	p2 =	seq.s32 s10, $0x1;
	s10 =	sld [smem:$0x3FB8]  }
0x3d: {  	_ =	shalt  }
0x3e: {  	_ =	shalt  }
0x3f: {  	_ =	shalt  }
0x40: {  	_ =	shalt  }
0x41: {  	_ =	shalt  }
0x42: {  	_ =	shalt  }
0x43: {  	_ =	shalt  }
0x44: {  	_ =	shalt  }
0x45: {  	_ =	shalt  }
0x46: {  	_ =	shalt  }
0x47: {  	_ =	shalt  }
0x48: {  	_ =	shalt  }
0x49: {  	_ =	shalt  }
0x4a: {  	_ =	shalt  }
0x4b: {  	_ =	shalt  }
0x4c: {  	_ =	shalt  }
0x4d: {  	_ =	shalt  }
0x4e: {  	_ =	shalt  }
0x4f: {  	_ =	shalt  }
0x50: {  	_ =	shalt  }
0x51: {  	_ =	shalt  }
0x52: {  	_ =	shalt  }
0x53: {  	_ =	shalt  }
0x54: {  	_ =	shalt  }
0x55: {  	_ =	shalt  }
0x56: {  	_ =	shalt  }
0x57: {  	_ =	shalt  }
0x58: {  	_ =	shalt  }
0x59: {  	_ =	shalt  }
0x5a: {  	_ =	shalt  }
0x5b: {  	_ =	shalt  }
0x5c: {  	_ =	shalt  }
0x5d: {  	_ =	shalt  }
0x5e: {  	_ =	shalt  }
0x5f: {  	_ =	shalt  }
0x60: {  	_ =	shalt  }
0x61: {  	_ =	shalt  }
0x62: {  	_ =	shalt  }
0x63: {  	_ =	shalt  }
0x64: {  	_ =	shalt  }
0x65: {  	_ =	shalt  }
0x66: {  	_ =	shalt  }
0x67: {  	_ =	shalt  }
0x68: {  	_ =	shalt  }
0x69: {  	_ =	shalt  }
0x6a: {  	_ =	shalt  }
0x6b: {  	_ =	shalt  }
0x6c: {  	_ =	shalt  }
0x6d: {  	_ =	shalt  }
0x6e: {  	_ =	shalt  }
0x6f: {  	_ =	shalt  }
0x70: {  	_ =	shalt  }
0x71: {  	_ =	shalt  }
0x72: {  	_ =	shalt  }
0x73: {  	_ =	shalt  }
0x74: {  	_ =	shalt  }
0x75: {  	_ =	shalt  }
0x76: {  	_ =	shalt  }
0x77: {  	_ =	shalt  }
0x78: {  	_ =	shalt  }
0x79: {  	_ =	shalt  }
0x7a: {  	_ =	shalt  }
0x7b: {  	_ =	shalt  }
0x7c: {  	_ =	shalt  }
0x7d: {  	_ =	shalt  }
0x7e: {  	_ =	shalt  }
0x7f: {  	_ =	shalt  }
0x80: {  	_ =	shalt  }
0x81: {  	_ =	shalt  }
0x82: {  	_ =	shalt  }
0x83: {  	_ =	shalt  }
0x84: {  	_ =	shalt  }
0x85: {  	_ =	shalt  }
0x86: {  	_ =	shalt  }
0x87: {  	_ =	shalt  }
.Lfunc_end0:
.L_simem_size_0:
called_computation.1_lowered:
.L_overlay_start_0:
0x88: {  	s0 =	sld [smem:$0x3FD9]  }
0x89: {  	s1 =	sld [smem:$0x3FFE];
	_ =	sdelay $0x3  }
0x8a: {  	s0 =	sadd.s32 s1, s0  }
0x8b: {  	[smem:$0x3FC4] =	sst s0  }
0x8c: {  	_ = 	snop  }
0x8d: {  	(tm) =	ssettm $0x1  }
0x8e: {  	s14 =	sld [smem:$0x3FFB];
	_ =	sdelay $0x3  }
0x8f: {  	_ =	strace s14  }
0x90: {  	s0 =	sld [smem:$0x3FFC];
	_ =	sdelay $0x3  }
0x91: {  	_ =	strace s0  }
0x92: {  	s0 =	sld [smem:$0x3FFD];
	_ =	sdelay $0x3  }
0x93: {  	_ =	strace s0  }
0x94: {  	_ =	strace $0x8FFFFFFF  }
0x95: {  	s15 =	sld [smem:$0x3FDB];
	_ =	sdelay $0x1  }
0x96: {  	s16 =	simm.s32 $_scs_section_size  }
0x97: {  	s2 =	simm.s32 $_size__tile_overlayer_lowered;
	s3 =	simm.s32 $_tile_overlayer_lowered  }
0x98: {  	s4 =	simm.s32 $0x1BFF;
	s17 =	sshll.u32 s3, $0x1;
	s1 =	sadd.s32 s16, s15  }
0x99: {  	s18 =	simm.s32 $0x0;
	s2 =	sshll.u32 s2, $0x1;
	s3 =	sadd.s32 s17, s1  }
0x9a: {  	[timem:s18], [sflag:s4] =	dma.local [hbm:s3], s2  }
0x9b: {  	_ =	swait.ge [sflag:s4], s2  }
0x9c: {  	s2 =	ssub.s32 $0x0, s2;
	[sflag:s4] =	ssyncset.done $0x0  }
0x9d: {  	[sflag:s4] =	ssyncadd.s32 s2;
	_ =	sdelay $0x1  }
0x9e: {  	s19 =	simm.s32 $0x1B8B  }
0x9f: {  	_ =	swait.ge [sflag:s19], $0x1  }
0xa0: {  	[sflag:s19] =	ssyncset.done $0x0  }
0xa1: {  	s21 =	simm.s32 $0x1B8E;
	s20 =	sld [smem:$0x3FFE];
	[sflag:s19] =	ssyncadd.s32 $0xFFFFFFFF  }
0xa2: {  	s22 =	simm.s32 $execute0_lowered;
	[smem:$0x3FD2] =	sst s21  }
0xa3: {  	s3 =	sshll.u32 s22, $0x1;
	_ =	strace $0x8000004C;
	[dreg:$0x1] =	wrdreg $0xFFFFFFFF  }
0xa4: {  	s23 =	simm.s32 $_size_execute0_lowered;
	s3 =	sadd.s32 s1, s3;
	[dreg:$0x0] =	wrdreg $0x0  }
0xa5: {  	s4 =	sshll.u32 s23, $0x1;
	[dreg:$0x2] =	wrdreg s3  }
0xa6: {  	[dreg:$0x3] =	wrdreg s4  }
0xa7: {  	[dreg:$0x4] =	wrdreg $0xC0  }
0xa8: {  	s24 =	simm.s32 $execute1_lowered;
	_ =	task [dreg:s18], $0x5FFFF  }
0xa9: {  	s3 =	sshll.u32 s24, $0x1;
	[dreg:$0x1] =	wrdreg $0xFFFFFFFF  }
0xaa: {  	s1 =	sadd.s32 s1, s3;
	[dreg:$0x0] =	wrdreg $0x60  }
0xab: {  	[dreg:$0x2] =	wrdreg s1  }
0xac: {  	[dreg:$0x3] =	wrdreg s20  }
0xad: {  	[dreg:$0x4] =	wrdreg $0xB  }
0xae: {  	_ =	task.clear_ibuf [dreg:s18], $0x5FFFF;
	_ =	strace $0x9000004C  }
0xaf: {  	s25 =	simm.s32 $0xB;
	_ =	strace $0x8000004E  }
0xb0: {  	_ =	swait.ge [sflag:s25], $0x1  }
0xb1: {  	[sflag:s25] =	ssyncadd.s32 $0xFFFFFFFF  }
0xb2: {  	_ =	strace $0x9000004E  }
0xb3: {  	_ =	strace $0x8000004F;
	[dreg:$0x1] =	wrdreg $0xFFFFFFFF  }
0xb4: {  	[dreg:$0x0] =	wrdreg $0x2030  }
0xb5: {  	[dreg:$0x2] =	wrdreg s20  }
0xb6: {  	[dreg:$0x3] =	wrdreg $0xC  }
0xb7: {  	_ =	task.clear_ibuf [dreg:s18], $0x4FFFF;
	_ =	strace $0x9000004F  }
0xb8: {  	s26 =	simm.s32 $0xC;
	_ =	strace $0x80000051  }
0xb9: {  	_ =	swait.ge [sflag:s26], $0x1  }
0xba: {  	[sflag:s26] =	ssyncadd.s32 $0xFFFFFFFF  }
0xbb: {  	_ =	strace $0x90000051  }
0xbc: {  	_ =	sfence  }
0xbd: {  	s28 =	sld [smem:$0x0];
	_ =	sdelay $0x1  }
0xbe: {  	s29 =	srdreg.scid  }
0xbf: {  	s30 =	sshll.u32 s29, $0xD;
	s31 =	sshrl.u32 s29, $0x2  }
0xc0: {  	s2 =	sand.u32 $0x1, s29;
	s3 =	sand.u32 $0x4000, s30;
	s1 =	sadd.s32 s31, s28  }
0xc1: {  	s2 =	sor.u32 s3, s2;
	s1 =	sshll.u32 s1, $0x11  }
0xc2: {  	s1 =	sor.u32 s1, s2  }
0xc3: {  	s1 =	sadd.s32 $0x8F2B, s1  }
0xc4: {  	[sflag:s1] =	ssyncadd.remote.s32 $0x1  }
0xc5: {  	_ =	sfence.sel $0xFFFF  }
0xc6: {  	[dreg:$0x0] =	wrdreg $0xFFFFFFFF;
	(pc) =	sbr.abs _section_cstart, $3  }
0xc7: {  	[dreg:$0x1] =	wrdreg $0xFFFFFFFF  }
0xc8: {  	_ =	task.clear_ibuf [dreg:s18], $0x2FFFF;
	_ =	strace $0x9FFFFFFF  }
0xc9: {  	(tm) =	ssettm $0x7FFFFFFF  }
tec
execute0_lowered:
.L_overlay_start_1:
0x0: {  	(tag) =	ssettag $0x1  }
0x1: {  	s3 =	rddreg [dreg:$0x0]  }
0x2: {  	s6 =	rddreg [dreg:$0x1]  }
0x3: {  	s0 =	rddreg [dreg:$0x2]  }
0x4: {  	s2 =	stileid.u32;
	[bflag:$0x3] =	sbarrier.arrive $0xFFFF;
	s1 =	simm.s32 $_size_execute1_lowered  }
0x5: {  	p0 =	sne.s32 s2, $0x0;
	s1 =	sshll.u32 s1, $0x1;
	s31 =	sshll.u32 s2, $0x3  }
0x6: {  	s4 =	simm.s32 @!p0 $0x1C3F;
	s5 =	simm.s32 @!p0 $0x4060;
	s7 =	ssub.s32 $0x10, s31  }
0x7: {  	[timem:s5], [sflag:s4] =	dma.local @!p0 [hbm:s3], s1  }
0x8: {  	p1 =	sgt.s32 s7, $0x0  }
0x9: {  	s7 =	simm.s32 @!p1 $0x0  }
0xa: {  	s7 =	sand.u32 $0x78, s7  }
0xb: {  	s10 =	simm.s32 $0x3;
	p1 =	sne.s32 s7, $0x0  }
0xc: {  	s10 =	simm.s32 @!p1 $0x2  }
0xd: {  	p3 =	sne.s32 s10, $0x1  }
.Ltmp0:
0xe: {  	s9 =	simm.s32 $0x0;
	s8 =	simm.s32 $0x1;
	(pc) =	sbr.rel @!p3 .LBB2_1-.Ltmp0, $4  }
0xf: {  	s13 =	simm.s32 $0xFFFFFFFF;
	s3 =	simm.s32 $0x1;
	s4 =	simm.s32 $0x2  }
0x10: {  	s5 =	sadd.s32 $0x5C00, s6;
	_ =	strace $0x8000004D;
	s7 =	simm.s32 $0x1  }
0x11: {  	s6 =	sadd.s32 s2, s6;
	[sflag:s3] =	ssyncpa.u1 $0x0;
	s7 =	simm.s32 @!p1 $0x0  }
0x12: {  	[sflag:s4] =	ssyncpa.u1 $0x0;
	p1 =	por $0x0, $0x0;
	p2 =	sle.u32 s7, $0x0  }
0x13: {  	p1 =	sle.u32 s7, $0xFFFFFFFF  }
0x14: {  	s11 =	simm.s32 @!p2 $0x8;
	s12 =	simm.s32 @!p2 $0x0;
	s13 =	simm.s32 @!p1 $0x1  }
0x15: {  	[tilespmem:s11], [sflag:$0x1] =	stream.linear.gather @!p2 [hbm4b:s6+s12], $0x8, $0x38;
	[tilespmem:$0x20] =	vst v63  }
0x16: {  	_ =	swait.ge @!p1 [sflag:s13], $0x8  }
0x17: {  	[sflag:s13] =	ssyncset.done @!p1 $0x0  }
0x18: {  	s9 =	sand.u32 @!p1 $0x8, s9;
	[sflag:s13] =	ssyncadd.s32 @!p1 $0xFFFFFFF8  }
0x19: {  	v0 =	vld.msk @!p1 [tilespmem:s9+$0x0], $0xff;
	_ =	sdelay $0x2  }
0x1a: {  	p4 =	sne.s32 s10, $0x2  }
.Ltmp1:
0x1b: {  	p3 =	por $0x1, $0x1;
	s9 =	sor.u32 @!p1 $0x10, s9;
	(pc) =	sbr.rel @!p4 .LBB2_4-.Ltmp1, $4  }
0x1c: {  	s11 =	simm.s32 $0x2;
	s12 =	sadd.s32 @!p1 s5, s2;
	s13 =	simm.s32 @!p1 $0x0;
	[tilespmem:s9+$0x0] =	vst.msk @!p1 $0xff, v0  }
0x1d: {  	[hbm4b:s12+s13] =	stream.linear.scatter @!p1 [tilespmem:s9], [sflag:$0x2], $0x8, $0x38;
	[tilespmem:$0x20] =	vst v63  }
0x1e: {  	p2 =	sle.u32 s7, $0x1;
	s12 =	simm.s32 @!p3 $0x2;
	s9 =	simm.s32 $0x8  }
0x1f: {  	s13 =	simm.s32 $0x0;
	p1 =	por $0x1, $0x1;
	_ =	swait.ge @!p3 [sflag:s12], $0x8  }
.LBB2_3:
0x20: {  	s14 =	simm.s32 @!p2 $0x8;
	p4 =	sge.u32 s13, s7;
	[sflag:s12] =	ssyncset.done @!p3 $0x0  }
0x21: {  	s13 =	simm.s32 @!p2 $0x0;
	s15 =	simm.s32 @!p4 $0x1;
	[sflag:s12] =	ssyncadd.s32 @!p3 $0xFFFFFFF8  }
0x22: {  	[tilespmem:s14], [sflag:$0x1] =	stream.linear.gather @!p2 [hbm4b:s6+s13], $0x8, $0x38;
	[tilespmem:$0x20] =	vst v63  }
0x23: {  	s13 =	smov.u32 s11;
	s11 =	sadd.s32 $0x1, s11;
	_ =	swait.ge @!p4 [sflag:s15], $0x8  }
0x24: {  	s12 =	sand.u32 @!p4 $0x8, s9;
	p5 =	sne.s32 s11, s10;
	[sflag:s15] =	ssyncset.done @!p4 $0x0  }
0x25: {  	[sflag:s15] =	ssyncadd.s32 @!p4 $0xFFFFFFF8  }
0x26: {  	v0 =	vld.msk @!p4 [tilespmem:s12+$0x0], $0xff;
	_ =	sdelay $0x2  }
.Ltmp2:
0x27: {  	s14 =	sor.u32 @!p4 $0x10, s12;
	(pc) =	sbr.rel @p5 .LBB2_3-.Ltmp2, $4  }
0x28: {  	s16 =	simm.s32 @!p4 $0x0;
	p3 =	slt.u32 s8, $0x2;
	s15 =	sadd.s32 @!p4 s5, s2  }
0x29: {  	s9 =	sadd.s32 $0x8, s9;
	s8 =	smov.u32 s13;
	s12 =	simm.s32 @!p3 $0x2;
	[tilespmem:s14+$0x0] =	vst.msk @!p4 $0xff, v0  }
0x2a: {  	[hbm4b:s15+s16] =	stream.linear.scatter @!p4 [tilespmem:s14], [sflag:$0x2], $0x8, $0x38;
	[tilespmem:$0x20] =	vst v63  }
0x2b: {  	p2 =	sge.u32 s8, s7;
	s13 =	sadd.s32 $0xFFFFFFFF, s8;
	_ =	swait.ge @!p3 [sflag:s12], $0x8  }
.LBB2_4:
0x2c: {  	p3 =	por p3, !p1  }
0x2d: {  	s10 =	simm.s32 @!p2 $0x8;
	p1 =	sge.u32 s13, s7;
	[sflag:s12] =	ssyncset.done @!p3 $0x0  }
0x2e: {  	s7 =	simm.s32 @!p2 $0x0;
	s11 =	simm.s32 @!p1 $0x1;
	[sflag:s12] =	ssyncadd.s32 @!p3 $0xFFFFFFF8  }
0x2f: {  	[tilespmem:s10], [sflag:$0x1] =	stream.linear.gather @!p2 [hbm4b:s6+s7], $0x8, $0x38;
	[tilespmem:$0x20] =	vst v63  }
0x30: {  	_ =	swait.ge @!p1 [sflag:s11], $0x8  }
0x31: {  	[sflag:s11] =	ssyncset.done @!p1 $0x0  }
0x32: {  	s6 =	sand.u32 @!p1 $0x8, s9;
	[sflag:s11] =	ssyncadd.s32 @!p1 $0xFFFFFFF8  }
0x33: {  	v0 =	vld.msk @!p1 [tilespmem:s6+$0x0], $0xff;
	_ =	sdelay $0x3  }
0x34: {  	p2 =	slt.u32 s8, $0x2;
	s6 =	sor.u32 @!p1 $0x10, s6  }
0x35: {  	s2 =	sadd.s32 @!p1 s5, s2;
	s5 =	simm.s32 @!p1 $0x0;
	s7 =	simm.s32 @!p2 $0x2;
	[tilespmem:s6+$0x0] =	vst.msk @!p1 $0xff, v0  }
0x36: {  	[hbm4b:s2+s5] =	stream.linear.scatter @!p1 [tilespmem:s6], [sflag:$0x2], $0x8, $0x38;
	[tilespmem:$0x20] =	vst v63  }
0x37: {  	_ =	swait.ge @!p2 [sflag:s7], $0x8  }
0x38: {  	[sflag:s7] =	ssyncset.done @!p2 $0x0  }
0x39: {  	[sflag:s7] =	ssyncadd.s32 @!p2 $0xFFFFFFF8  }
0x3a: {  	_ =	sfence.sel $0x180000  }
0x3b: {  	[bflag:$0x0] =	sbarrier.arrive $0xFFFF  }
0x3c: {  	[sflag:s3] =	ssyncpa.u1 $0x1  }
0x3d: {  	[sflag:s4] =	ssyncpa.u1 $0x1  }
0x3e: {  	_ =	strace $0x9000004D  }
0x3f: {  	s0 =	sadd.s32 @!p0 $0x100000, s0;
	[bflag:$0x2] =	sbarrier.arrive $0xFFFF  }
0x40: {  	[sflag:s0] =	ssyncadd.tile.s32 @!p0 $0x1;
	s0 =	simm.s32 @!p0 $0x3F  }
0x41: {  	_ =	swait.ge @!p0 [sflag:s0], s1  }
0x42: {  	s1 =	ssub.s32 @!p0 $0x0, s1;
	[sflag:s0] =	ssyncset.done @!p0 $0x0  }
0x43: {  	[sflag:s0] =	ssyncadd.s32 @!p0 s1  }
0x44: {  	[bflag:$0x3] =	sbarrier.arrive $0xFFFF  }
0x45: {  	_ =	shalt  }
.LBB2_1:
.Ltmp3:
0x46: {  	(pc) =	sbr.rel .LBB2_4-.Ltmp3, $2  }
0x47: {  	_ =	sdelay $0x2  }
0x48: {  	s8 =	simm.s32 $0x0  }
.Lfunc_end2:
execute1_lowered:
.L_overlay_start_2:
0x49: {  	(tag) =	ssettag $0x2  }
0x4a: {  	s2 =	rddreg [dreg:$0x0]  }
0x4b: {  	s0 =	rddreg [dreg:$0x1];
	_ =	strace $0x80000050;
	s3 =	stileid.u32  }
0x4c: {  	s4 =	simm.s32 $0x3E;
	s1 =	sadd.s32 $0x5C00, s2;
	p0 =	sne.s32 s3, $0x0  }
0x4d: {  	[sflag:s4] =	ssyncpa.u1 $0x0;
	s5 =	simm.s32 @!p0 $0x1C3E;
	s6 =	simm.s32 @!p0 $0x0  }
0x4e: {  	[spmem:s6], [sflag:s5] =	dma.local @!p0 [hbm:s1], $0x10  }
0x4f: {  	s5 =	simm.s32 @!p0 $0x3E  }
0x50: {  	_ =	swait.ge @!p0 [sflag:s5], $0x10  }
0x51: {  	[sflag:s5] =	ssyncset.done @!p0 $0x0  }
0x52: {  	s26 =	simm.s32 $0x1;
	[sflag:s5] =	ssyncadd.s32 @!p0 $0xFFFFFFF0  }
0x53: {  	s28 =	simm.s32 $0x2;
	s7 =	simm.s32 $0x628;
	[bflag:$0x0] =	sbarrier.arrive $0xFFFF  }
0x54: {  	s3 =	smul.u32 $0xC4, s3;
	s29 =	sadd.s32 $0x3E00, s2;
	[sflag:s4] =	ssyncpa.u1 $0x1  }
0x55: {  	s30 =	sadd.s32 $0x4C00, s2;
	s2 =	simm.s32 $0x0;
	[sflag:s26] =	ssyncpa.u1 $0x0  }
0x56: {  	s5 =	sadd.s32 s29, s3;
	(ifvalue) =	ssetifvalue $0x80;
	[sflag:s28] =	ssyncpa.u1 $0x0  }
0x57: {  	[tilespmem:s7], [sflag:$0x2] =	stream.linear.gather [hbm4b:s5+s2], $0x620, $0x38;
	[tilespmem:$0x1888] =	vst v63  }
0x58: {  	s31 =	sadd.s32 s30, s3;
	s3 =	simm.s32 $0x1268  }
0x59: {  	[tilespmem:s3], [sflag:$0x2] =	stream.linear.gather [hbm4b:s31+s2], $0x620, $0x38;
	[tilespmem:$0x1888] =	vst v63  }
0x5a: {  	_ =	swait.ge [sflag:s28], $0xC40  }
0x5b: {  	[sflag:s28] =	ssyncset.done $0x0  }
0x5c: {  	[sflag:s28] =	ssyncadd.s32 $0xFFFFF3C0  }
0x5d: {  	v0 =	vld.msk [tilespmem:s7+$0x0 ss:$0x1], $0xffff;
	_ =	sdelay $0x4  }
0x5e: {  	v0 =	vmin.u32 v0, $0x80;
	_ =	sdelay $0x3  }
0x5f: {  	vm0 =	vmmov $0xffff;
	s4 =	simm.s32 $0x0;
	s5 =	simm.s32 $0x638  }
0x60: {  	[spmem:s2] =	stream.indirect_vreg.scatter.add.s32 [tilespmem:s3], [sflag:$0x1], $0x1, v0, vm0, $0x4038;
	[tilespmem:$0x1888] =	vst v63  }
.LBB3_1:
0x61: {  	v0 =	vld.msk [tilespmem:s5+$0x0 ss:$0x1], $0xffff;
	s4 =	sadd.s32 $0x10, s4  }
0x62: {  	p1 =	slt.u32 s4, $0x610;
	_ =	sdelay $0x4  }
0x63: {  	v0 =	vmin.u32 v0, $0x80  }
.Ltmp4:
0x64: {  	(pc) =	sbr.rel @p1 .LBB3_1-.Ltmp4, $3  }
0x65: {  	_ =	sdelay $0x1  }
0x66: {  	s5 =	sadd.s32 $0x10, s5;
	s3 =	sadd.s32 $0x10, s3  }
0x67: {  	[spmem:s2] =	stream.indirect_vreg.scatter.add.s32 [tilespmem:s3], [sflag:$0x1], $0x1, v0, vm0, $0x4038;
	[tilespmem:$0x1888] =	vst v63  }
0x68: {  	s2 =	simm.s32 $0x1  }
0x69: {  	_ =	swait.ge [sflag:s2], $0x620  }
0x6a: {  	[sflag:s2] =	ssyncset.done $0x0  }
0x6b: {  	[sflag:s2] =	ssyncadd.s32 $0xFFFFF9E0  }
0x6c: {  	_ =	sfence.sel $0x180000  }
0x6d: {  	s3 =	simm.s32 $0x2;
	[bflag:$0x0] =	sbarrier.arrive $0xFFFF  }
0x6e: {  	[sflag:s3] =	ssyncpa.u1 $0x1  }
0x6f: {  	[sflag:s2] =	ssyncpa.u1 $0x1  }
0x70: {  	_ =	sfence.stream.spmem  }
0x71: {  	s31 =	simm.s32 $0x3D;
	[bflag:$0x0] =	sbarrier.arrive $0xFFFF  }
0x72: {  	s2 =	simm.s32 @p0 $0x3D;
	[sflag:s31] =	ssyncpa.u1 $0x0  }
0x73: {  	[sflag:s2] =	ssyncpa.u1 @p0 $0x1  }
0x74: {  	[bflag:$0x0] =	sbarrier.arrive @p0 $0xFFFF  }
0x75: {  	_ =	strace @p0 $0x90000050  }
0x76: {  	s3 =	simm.s32 @!p0 $0x1C3D;
	s2 =	simm.s32 @!p0 $0x0;
	[bflag:$0x2] =	sbarrier.arrive @p0 $0xFFFF  }
0x77: {  	[hbm:s1], [sflag:s3] =	dma.local @!p0 [spmem:s2], $0x10  }
0x78: {  	s1 =	simm.s32 @!p0 $0x3D  }
0x79: {  	_ =	swait.ge @!p0 [sflag:s1], $0x10  }
0x7a: {  	[sflag:s1] =	ssyncset.done @!p0 $0x0  }
0x7b: {  	[sflag:s1] =	ssyncadd.s32 @!p0 $0xFFFFFFF0  }
0x7c: {  	[sflag:s1] =	ssyncpa.u1 @!p0 $0x1  }
0x7d: {  	[bflag:$0x0] =	sbarrier.arrive @!p0 $0xFFFF  }
0x7e: {  	_ =	strace @!p0 $0x90000050  }
0x7f: {  	s0 =	sadd.s32 @!p0 $0x100000, s0;
	[bflag:$0x2] =	sbarrier.arrive @!p0 $0xFFFF  }
0x80: {  	[sflag:s0] =	ssyncadd.tile.s32 @!p0 $0x1;
	_ =	shalt  }
.Lfunc_end3:
_tile_overlayer_lowered:
.L_overlay_start_3:
0x81: {  	(tag) =	ssettag $0x3  }
0x82: {  	s0 =	rddreg [dreg:$0x0];
	s2 =	stileid.u32  }
0x83: {  	s1 =	rddreg [dreg:$0x1];
	p0 =	sne.s32 s2, $0x0  }
0x84: {  	s3 =	rddreg [dreg:$0x2];
	[bflag:$0x3] =	sbarrier.arrive $0xFFFF;
	s2 =	simm.s32 @!p0 $0x1C01  }
0x85: {  	[timem:s3], [sflag:s2] =	dma.local @!p0 [hbm:s0], s1  }
0x86: {  	s0 =	simm.s32 @!p0 $0x1  }
0x87: {  	_ =	swait.ge @!p0 [sflag:s0], s1  }
0x88: {  	s1 =	ssub.s32 @!p0 $0x0, s1;
	[sflag:s0] =	ssyncset.done @!p0 $0x0  }
0x89: {  	[sflag:s0] =	ssyncadd.s32 @!p0 s1  }
0x8a: {  	[bflag:$0x3] =	sbarrier.arrive $0xFFFF  }
0x8b: {  	_ =	shalt  }

// kernel: scatter_offload_async_start.2
scs
__scs_entry_jumppad:
0x0: {  	(pc) =	sbr.rel $0x88, $3  }
0x1: {  	(tag) =	ssettag $0x0;
	lr =	simm.s32 $0x1  }
0x2: {  	[smem:$0x3F9D] =	sst lr;
	_ =	strace $0xD0000000  }
0x3: {  	_ = 	snop  }
0x4: {  	_ = 	snop  }
0x5: {  	_ = 	snop  }
0x6: {  	_ = 	snop  }
0x7: {  	_ = 	snop  }
__scs_overlays_trampoline_lowered:
0x8: {  	[smem:$0x3FAC] =	sst s0  }
0x9: {  	[smem:$0x3FAD] =	sst s1  }
0xa: {  	[smem:$0x3FAE] =	sst s2  }
0xb: {  	[smem:$0x3FAF] =	sst s3  }
0xc: {  	[smem:$0x3FB0] =	sst s4  }
0xd: {  	[smem:$0x3FB1] =	sst s5  }
0xe: {  	[smem:$0x3FB2] =	sst s6  }
0xf: {  	[smem:$0x3FB3] =	sst s7  }
0x10: {  	[smem:$0x3FB4] =	sst s8  }
0x11: {  	[smem:$0x3FB5] =	sst s9;
	s0 =	simm.s32 @!p0 $0x0  }
0x12: {  	s1 =	sld [smem:$0x3F9B];
	s0 =	simm.s32 @p0 $0x1  }
0x13: {  	[smem:$0x3FB6] =	sst s0;
	s0 =	simm.s32 @!p1 $0x0  }
0x14: {  	s2 =	sld [smem:$0x3F9A];
	s0 =	simm.s32 @p1 $0x1  }
0x15: {  	[smem:$0x3FB7] =	sst s0;
	s0 =	simm.s32 @!p2 $0x0  }
0x16: {  	s3 =	sld [smem:$0x3FDB];
	s0 =	simm.s32 @p2 $0x1  }
0x17: {  	s4 =	simm.s32 $0x1BF5;
	[smem:$0x3FB9] =	sst s0  }
0x18: {  	s0 =	sld [smem:$0x3F9C];
	_ =	swait.ge [sflag:s4], $0x0  }
0x19: {  	s7 =	sld [smem:$0x3F9D]  }
0x1a: {  	s8 =	sadd.s32 $0xFFFFE003, lr  }
0x1b: {  	s9 =	sadd.s32 $0xFFFFFEF7, lr;
	s5 =	simm.s32 $0xFFFFFFFF;
	p2 =	slt.u32 s8, $0xFFFFF086  }
0x1c: {  	p1 =	slt.u32 s9, $0xF7A;
	s5 =	simm.s32 @!p2 $0x0  }
0x1d: {  	s5 =	simm.s32 @p1 $0x1;
	p0 =	seq.s32 s7, s2  }
0x1e: {  	s7 =	smul.u32 @!p0 $0xF7A, s2;
	p2 =	seq.s32 @!p0 s5, $0x0  }
0x1f: {  	s9 =	smul.u32 $0xF7A, s1;
	s8 =	simm.s32 @!p0 $0x1BF5;
	p2 =	por !p2, p0  }
0x20: {  	[sflag:s8] =	ssyncset.s32 @!p0 $0xFFFFF086;
	s6 =	sadd.s32 @!p0 s3, s7;
	s7 =	simm.s32 @!p0 $0x108  }
0x21: {  	s3 =	sadd.s32 s3, s9;
	s6 =	sadd.s32 @!p0 $0x88, s6;
	s7 =	simm.s32 @p2 $0x1082  }
0x22: {  	[simem:s7], [sflag:s8] =	dma.local @!p0 [hbm:s6], $0xF7A  }
0x23: {  	s9 =	sor.u32 $0xD0000000, s2;
	s6 =	simm.s32 $0x108;
	_ =	swait.ge @!p0 [sflag:s8], $0x0  }
0x24: {  	s3 =	sadd.s32 $0x88, s3;
	s6 =	simm.s32 @!p1 $0x1082;
	[sflag:s4] =	ssyncset.s32 $0xFFFFF086  }
0x25: {  	[simem:s6], [sflag:s4] =	dma.local [hbm:s3], $0xF7A  }
0x26: {  	[smem:$0x3F9D] =	sst s1;
	(tag) =	ssettag s2;
	_ =	strace s9  }
0x27: {  	s1 =	sld [smem:$0x3FAD]  }
0x28: {  	s2 =	sld [smem:$0x3FAE]  }
0x29: {  	s4 =	sld [smem:$0x3FB0]  }
0x2a: {  	p0 =	seq.s32 s5, $0x0;
	s5 =	sld [smem:$0x3FB1]  }
0x2b: {  	s6 =	sld [smem:$0x3FB2]  }
0x2c: {  	s7 =	sld [smem:$0x3FB3]  }
0x2d: {  	s3 =	simm.s32 $0x108;
	s8 =	sld [smem:$0x3FB4]  }
0x2e: {  	s3 =	simm.s32 @!p0 $0x1082;
	s9 =	sld [smem:$0x3FB5]  }
0x2f: {  	lr =	sadd.s32 s0, s3;
	s0 =	sld [smem:$0x3FAC]  }
0x30: {  	s3 =	sld [smem:$0x3FAF]  }
0x31: {  	[smem:$0x3FB8] =	sst s10  }
0x32: {  	s10 =	sld [smem:$0x3FB6];
	_ =	sdelay $0x3  }
0x33: {  	p0 =	seq.s32 s10, $0x1;
	s10 =	sld [smem:$0x3FB8];
	_ =	sdelay $0x3  }
0x34: {  	[smem:$0x3FB8] =	sst s10  }
0x35: {  	s10 =	sld [smem:$0x3FB7];
	_ =	sdelay $0x3  }
0x36: {  	p1 =	seq.s32 s10, $0x1;
	s10 =	sld [smem:$0x3FB8];
	_ =	sdelay $0x3  }
0x37: {  	[smem:$0x3FB8] =	sst s10  }
0x38: {  	s10 =	sld [smem:$0x3FB9]  }
0x39: {  	_ = 	snop;
	(pc) =	sbr.ind lr, $3  }
0x3a: {  	_ = 	snop  }
0x3b: {  	_ = 	snop  }
0x3c: {  	p2 =	seq.s32 s10, $0x1;
	s10 =	sld [smem:$0x3FB8]  }
0x3d: {  	_ =	shalt  }
0x3e: {  	_ =	shalt  }
0x3f: {  	_ =	shalt  }
0x40: {  	_ =	shalt  }
0x41: {  	_ =	shalt  }
0x42: {  	_ =	shalt  }
0x43: {  	_ =	shalt  }
0x44: {  	_ =	shalt  }
0x45: {  	_ =	shalt  }
0x46: {  	_ =	shalt  }
0x47: {  	_ =	shalt  }
0x48: {  	_ =	shalt  }
0x49: {  	_ =	shalt  }
0x4a: {  	_ =	shalt  }
0x4b: {  	_ =	shalt  }
0x4c: {  	_ =	shalt  }
0x4d: {  	_ =	shalt  }
0x4e: {  	_ =	shalt  }
0x4f: {  	_ =	shalt  }
0x50: {  	_ =	shalt  }
0x51: {  	_ =	shalt  }
0x52: {  	_ =	shalt  }
0x53: {  	_ =	shalt  }
0x54: {  	_ =	shalt  }
0x55: {  	_ =	shalt  }
0x56: {  	_ =	shalt  }
0x57: {  	_ =	shalt  }
0x58: {  	_ =	shalt  }
0x59: {  	_ =	shalt  }
0x5a: {  	_ =	shalt  }
0x5b: {  	_ =	shalt  }
0x5c: {  	_ =	shalt  }
0x5d: {  	_ =	shalt  }
0x5e: {  	_ =	shalt  }
0x5f: {  	_ =	shalt  }
0x60: {  	_ =	shalt  }
0x61: {  	_ =	shalt  }
0x62: {  	_ =	shalt  }
0x63: {  	_ =	shalt  }
0x64: {  	_ =	shalt  }
0x65: {  	_ =	shalt  }
0x66: {  	_ =	shalt  }
0x67: {  	_ =	shalt  }
0x68: {  	_ =	shalt  }
0x69: {  	_ =	shalt  }
0x6a: {  	_ =	shalt  }
0x6b: {  	_ =	shalt  }
0x6c: {  	_ =	shalt  }
0x6d: {  	_ =	shalt  }
0x6e: {  	_ =	shalt  }
0x6f: {  	_ =	shalt  }
0x70: {  	_ =	shalt  }
0x71: {  	_ =	shalt  }
0x72: {  	_ =	shalt  }
0x73: {  	_ =	shalt  }
0x74: {  	_ =	shalt  }
0x75: {  	_ =	shalt  }
0x76: {  	_ =	shalt  }
0x77: {  	_ =	shalt  }
0x78: {  	_ =	shalt  }
0x79: {  	_ =	shalt  }
0x7a: {  	_ =	shalt  }
0x7b: {  	_ =	shalt  }
0x7c: {  	_ =	shalt  }
0x7d: {  	_ =	shalt  }
0x7e: {  	_ =	shalt  }
0x7f: {  	_ =	shalt  }
0x80: {  	_ =	shalt  }
0x81: {  	_ =	shalt  }
0x82: {  	_ =	shalt  }
0x83: {  	_ =	shalt  }
0x84: {  	_ =	shalt  }
0x85: {  	_ =	shalt  }
0x86: {  	_ =	shalt  }
0x87: {  	_ =	shalt  }
.Lfunc_end0:
.L_simem_size_0:
called_computation.2_lowered:
.L_overlay_start_0:
0x88: {  	s0 =	sld [smem:$0x3FD9]  }
0x89: {  	s1 =	sld [smem:$0x3FFE];
	_ =	sdelay $0x3  }
0x8a: {  	s0 =	sadd.s32 s1, s0  }
0x8b: {  	[smem:$0x3FC4] =	sst s0  }
0x8c: {  	_ = 	snop  }
0x8d: {  	(tm) =	ssettm $0x1  }
0x8e: {  	s14 =	sld [smem:$0x3FFB];
	_ =	sdelay $0x3  }
0x8f: {  	_ =	strace s14  }
0x90: {  	s0 =	sld [smem:$0x3FFC];
	_ =	sdelay $0x3  }
0x91: {  	_ =	strace s0  }
0x92: {  	s0 =	sld [smem:$0x3FFD];
	_ =	sdelay $0x3  }
0x93: {  	_ =	strace s0  }
0x94: {  	_ =	strace $0x8FFFFFFF  }
0x95: {  	s15 =	sld [smem:$0x3FDB];
	_ =	sdelay $0x1  }
0x96: {  	s16 =	simm.s32 $_scs_section_size  }
0x97: {  	s2 =	simm.s32 $_size__tile_overlayer_lowered;
	s3 =	simm.s32 $_tile_overlayer_lowered  }
0x98: {  	s4 =	simm.s32 $0x1BFF;
	s17 =	sshll.u32 s3, $0x1;
	s1 =	sadd.s32 s16, s15  }
0x99: {  	s18 =	simm.s32 $0x0;
	s2 =	sshll.u32 s2, $0x1;
	s3 =	sadd.s32 s17, s1  }
0x9a: {  	[timem:s18], [sflag:s4] =	dma.local [hbm:s3], s2  }
0x9b: {  	_ =	swait.ge [sflag:s4], s2  }
0x9c: {  	s2 =	ssub.s32 $0x0, s2;
	[sflag:s4] =	ssyncset.done $0x0  }
0x9d: {  	[sflag:s4] =	ssyncadd.s32 s2;
	_ =	sdelay $0x1  }
0x9e: {  	s19 =	simm.s32 $0x1B8B  }
0x9f: {  	_ =	swait.ge [sflag:s19], $0x1  }
0xa0: {  	[sflag:s19] =	ssyncset.done $0x0  }
0xa1: {  	s21 =	simm.s32 $0x1B8E;
	s20 =	sld [smem:$0x3FFE];
	[sflag:s19] =	ssyncadd.s32 $0xFFFFFFFF  }
0xa2: {  	s22 =	simm.s32 $execute0_lowered;
	[smem:$0x3FD2] =	sst s21  }
0xa3: {  	s3 =	sshll.u32 s22, $0x1;
	_ =	strace $0x80000052;
	[dreg:$0x1] =	wrdreg $0xFFFFFFFF  }
0xa4: {  	s23 =	simm.s32 $_size_execute0_lowered;
	s3 =	sadd.s32 s1, s3;
	[dreg:$0x0] =	wrdreg $0x0  }
0xa5: {  	s4 =	sshll.u32 s23, $0x1;
	[dreg:$0x2] =	wrdreg s3  }
0xa6: {  	[dreg:$0x3] =	wrdreg s4  }
0xa7: {  	[dreg:$0x4] =	wrdreg $0xC0  }
0xa8: {  	s24 =	simm.s32 $execute1_lowered;
	_ =	task [dreg:s18], $0x5FFFF  }
0xa9: {  	s3 =	sshll.u32 s24, $0x1;
	[dreg:$0x1] =	wrdreg $0xFFFFFFFF  }
0xaa: {  	s1 =	sadd.s32 s1, s3;
	[dreg:$0x0] =	wrdreg $0x60  }
0xab: {  	[dreg:$0x2] =	wrdreg s1  }
0xac: {  	[dreg:$0x3] =	wrdreg s20  }
0xad: {  	[dreg:$0x4] =	wrdreg $0xD  }
0xae: {  	_ =	task.clear_ibuf [dreg:s18], $0x5FFFF;
	_ =	strace $0x90000052  }
0xaf: {  	s25 =	simm.s32 $0xD;
	_ =	strace $0x80000054  }
0xb0: {  	_ =	swait.ge [sflag:s25], $0x1  }
0xb1: {  	[sflag:s25] =	ssyncadd.s32 $0xFFFFFFFF  }
0xb2: {  	_ =	strace $0x90000054  }
0xb3: {  	_ =	strace $0x80000055;
	[dreg:$0x1] =	wrdreg $0xFFFFFFFF  }
0xb4: {  	[dreg:$0x0] =	wrdreg $0x2030  }
0xb5: {  	[dreg:$0x2] =	wrdreg s20  }
0xb6: {  	[dreg:$0x3] =	wrdreg $0xE  }
0xb7: {  	_ =	task.clear_ibuf [dreg:s18], $0x4FFFF;
	_ =	strace $0x90000055  }
0xb8: {  	s26 =	simm.s32 $0xE;
	_ =	strace $0x80000057  }
0xb9: {  	_ =	swait.ge [sflag:s26], $0x1  }
0xba: {  	[sflag:s26] =	ssyncadd.s32 $0xFFFFFFFF  }
0xbb: {  	_ =	strace $0x90000057  }
0xbc: {  	_ =	sfence  }
0xbd: {  	s28 =	sld [smem:$0x0];
	_ =	sdelay $0x1  }
0xbe: {  	s29 =	srdreg.scid  }
0xbf: {  	s30 =	sshll.u32 s29, $0xD;
	s31 =	sshrl.u32 s29, $0x2  }
0xc0: {  	s2 =	sand.u32 $0x1, s29;
	s3 =	sand.u32 $0x4000, s30;
	s1 =	sadd.s32 s31, s28  }
0xc1: {  	s2 =	sor.u32 s3, s2;
	s1 =	sshll.u32 s1, $0x11  }
0xc2: {  	s1 =	sor.u32 s1, s2  }
0xc3: {  	s1 =	sadd.s32 $0x8F2B, s1  }
0xc4: {  	[sflag:s1] =	ssyncadd.remote.s32 $0x1  }
0xc5: {  	_ =	sfence.sel $0xFFFF  }
0xc6: {  	[dreg:$0x0] =	wrdreg $0xFFFFFFFF;
	(pc) =	sbr.abs _section_cstart, $3  }
0xc7: {  	[dreg:$0x1] =	wrdreg $0xFFFFFFFF  }
0xc8: {  	_ =	task.clear_ibuf [dreg:s18], $0x2FFFF;
	_ =	strace $0x9FFFFFFF  }
0xc9: {  	(tm) =	ssettm $0x7FFFFFFF  }
tec
execute0_lowered:
.L_overlay_start_1:
0x0: {  	(tag) =	ssettag $0x1  }
0x1: {  	s3 =	rddreg [dreg:$0x0]  }
0x2: {  	s6 =	rddreg [dreg:$0x1]  }
0x3: {  	s0 =	rddreg [dreg:$0x2]  }
0x4: {  	s2 =	stileid.u32;
	[bflag:$0x3] =	sbarrier.arrive $0xFFFF;
	s1 =	simm.s32 $_size_execute1_lowered  }
0x5: {  	p0 =	sne.s32 s2, $0x0;
	s1 =	sshll.u32 s1, $0x1;
	s31 =	sshll.u32 s2, $0x3  }
0x6: {  	s4 =	simm.s32 @!p0 $0x1C3F;
	s5 =	simm.s32 @!p0 $0x4060;
	s7 =	ssub.s32 $0x10, s31  }
0x7: {  	[timem:s5], [sflag:s4] =	dma.local @!p0 [hbm:s3], s1  }
0x8: {  	p1 =	sgt.s32 s7, $0x0  }
0x9: {  	s7 =	simm.s32 @!p1 $0x0  }
0xa: {  	s7 =	sand.u32 $0x78, s7  }
0xb: {  	s10 =	simm.s32 $0x3;
	p1 =	sne.s32 s7, $0x0  }
0xc: {  	s10 =	simm.s32 @!p1 $0x2  }
0xd: {  	p3 =	sne.s32 s10, $0x1  }
.Ltmp0:
0xe: {  	s9 =	simm.s32 $0x0;
	s8 =	simm.s32 $0x1;
	(pc) =	sbr.rel @!p3 .LBB2_1-.Ltmp0, $4  }
0xf: {  	s13 =	simm.s32 $0xFFFFFFFF;
	s3 =	simm.s32 $0x1;
	s4 =	simm.s32 $0x2  }
0x10: {  	s5 =	sadd.s32 $0x5E00, s6;
	_ =	strace $0x80000053;
	s7 =	simm.s32 $0x1  }
0x11: {  	s6 =	sadd.s32 s2, s6;
	[sflag:s3] =	ssyncpa.u1 $0x0;
	s7 =	simm.s32 @!p1 $0x0  }
0x12: {  	[sflag:s4] =	ssyncpa.u1 $0x0;
	p1 =	por $0x0, $0x0;
	p2 =	sle.u32 s7, $0x0  }
0x13: {  	p1 =	sle.u32 s7, $0xFFFFFFFF  }
0x14: {  	s11 =	simm.s32 @!p2 $0x8;
	s12 =	simm.s32 @!p2 $0x0;
	s13 =	simm.s32 @!p1 $0x1  }
0x15: {  	[tilespmem:s11], [sflag:$0x1] =	stream.linear.gather @!p2 [hbm4b:s6+s12], $0x8, $0x38;
	[tilespmem:$0x20] =	vst v63  }
0x16: {  	_ =	swait.ge @!p1 [sflag:s13], $0x8  }
0x17: {  	[sflag:s13] =	ssyncset.done @!p1 $0x0  }
0x18: {  	s9 =	sand.u32 @!p1 $0x8, s9;
	[sflag:s13] =	ssyncadd.s32 @!p1 $0xFFFFFFF8  }
0x19: {  	v0 =	vld.msk @!p1 [tilespmem:s9+$0x0], $0xff;
	_ =	sdelay $0x2  }
0x1a: {  	p4 =	sne.s32 s10, $0x2  }
.Ltmp1:
0x1b: {  	p3 =	por $0x1, $0x1;
	s9 =	sor.u32 @!p1 $0x10, s9;
	(pc) =	sbr.rel @!p4 .LBB2_4-.Ltmp1, $4  }
0x1c: {  	s11 =	simm.s32 $0x2;
	s12 =	sadd.s32 @!p1 s5, s2;
	s13 =	simm.s32 @!p1 $0x0;
	[tilespmem:s9+$0x0] =	vst.msk @!p1 $0xff, v0  }
0x1d: {  	[hbm4b:s12+s13] =	stream.linear.scatter @!p1 [tilespmem:s9], [sflag:$0x2], $0x8, $0x38;
	[tilespmem:$0x20] =	vst v63  }
0x1e: {  	p2 =	sle.u32 s7, $0x1;
	s12 =	simm.s32 @!p3 $0x2;
	s9 =	simm.s32 $0x8  }
0x1f: {  	s13 =	simm.s32 $0x0;
	p1 =	por $0x1, $0x1;
	_ =	swait.ge @!p3 [sflag:s12], $0x8  }
.LBB2_3:
0x20: {  	s14 =	simm.s32 @!p2 $0x8;
	p4 =	sge.u32 s13, s7;
	[sflag:s12] =	ssyncset.done @!p3 $0x0  }
0x21: {  	s13 =	simm.s32 @!p2 $0x0;
	s15 =	simm.s32 @!p4 $0x1;
	[sflag:s12] =	ssyncadd.s32 @!p3 $0xFFFFFFF8  }
0x22: {  	[tilespmem:s14], [sflag:$0x1] =	stream.linear.gather @!p2 [hbm4b:s6+s13], $0x8, $0x38;
	[tilespmem:$0x20] =	vst v63  }
0x23: {  	s13 =	smov.u32 s11;
	s11 =	sadd.s32 $0x1, s11;
	_ =	swait.ge @!p4 [sflag:s15], $0x8  }
0x24: {  	s12 =	sand.u32 @!p4 $0x8, s9;
	p5 =	sne.s32 s11, s10;
	[sflag:s15] =	ssyncset.done @!p4 $0x0  }
0x25: {  	[sflag:s15] =	ssyncadd.s32 @!p4 $0xFFFFFFF8  }
0x26: {  	v0 =	vld.msk @!p4 [tilespmem:s12+$0x0], $0xff;
	_ =	sdelay $0x2  }
.Ltmp2:
0x27: {  	s14 =	sor.u32 @!p4 $0x10, s12;
	(pc) =	sbr.rel @p5 .LBB2_3-.Ltmp2, $4  }
0x28: {  	s16 =	simm.s32 @!p4 $0x0;
	p3 =	slt.u32 s8, $0x2;
	s15 =	sadd.s32 @!p4 s5, s2  }
0x29: {  	s9 =	sadd.s32 $0x8, s9;
	s8 =	smov.u32 s13;
	s12 =	simm.s32 @!p3 $0x2;
	[tilespmem:s14+$0x0] =	vst.msk @!p4 $0xff, v0  }
0x2a: {  	[hbm4b:s15+s16] =	stream.linear.scatter @!p4 [tilespmem:s14], [sflag:$0x2], $0x8, $0x38;
	[tilespmem:$0x20] =	vst v63  }
0x2b: {  	p2 =	sge.u32 s8, s7;
	s13 =	sadd.s32 $0xFFFFFFFF, s8;
	_ =	swait.ge @!p3 [sflag:s12], $0x8  }
.LBB2_4:
0x2c: {  	p3 =	por p3, !p1  }
0x2d: {  	s10 =	simm.s32 @!p2 $0x8;
	p1 =	sge.u32 s13, s7;
	[sflag:s12] =	ssyncset.done @!p3 $0x0  }
0x2e: {  	s7 =	simm.s32 @!p2 $0x0;
	s11 =	simm.s32 @!p1 $0x1;
	[sflag:s12] =	ssyncadd.s32 @!p3 $0xFFFFFFF8  }
0x2f: {  	[tilespmem:s10], [sflag:$0x1] =	stream.linear.gather @!p2 [hbm4b:s6+s7], $0x8, $0x38;
	[tilespmem:$0x20] =	vst v63  }
0x30: {  	_ =	swait.ge @!p1 [sflag:s11], $0x8  }
0x31: {  	[sflag:s11] =	ssyncset.done @!p1 $0x0  }
0x32: {  	s6 =	sand.u32 @!p1 $0x8, s9;
	[sflag:s11] =	ssyncadd.s32 @!p1 $0xFFFFFFF8  }
0x33: {  	v0 =	vld.msk @!p1 [tilespmem:s6+$0x0], $0xff;
	_ =	sdelay $0x3  }
0x34: {  	p2 =	slt.u32 s8, $0x2;
	s6 =	sor.u32 @!p1 $0x10, s6  }
0x35: {  	s2 =	sadd.s32 @!p1 s5, s2;
	s5 =	simm.s32 @!p1 $0x0;
	s7 =	simm.s32 @!p2 $0x2;
	[tilespmem:s6+$0x0] =	vst.msk @!p1 $0xff, v0  }
0x36: {  	[hbm4b:s2+s5] =	stream.linear.scatter @!p1 [tilespmem:s6], [sflag:$0x2], $0x8, $0x38;
	[tilespmem:$0x20] =	vst v63  }
0x37: {  	_ =	swait.ge @!p2 [sflag:s7], $0x8  }
0x38: {  	[sflag:s7] =	ssyncset.done @!p2 $0x0  }
0x39: {  	[sflag:s7] =	ssyncadd.s32 @!p2 $0xFFFFFFF8  }
0x3a: {  	_ =	sfence.sel $0x180000  }
0x3b: {  	[bflag:$0x0] =	sbarrier.arrive $0xFFFF  }
0x3c: {  	[sflag:s3] =	ssyncpa.u1 $0x1  }
0x3d: {  	[sflag:s4] =	ssyncpa.u1 $0x1  }
0x3e: {  	_ =	strace $0x90000053  }
0x3f: {  	s0 =	sadd.s32 @!p0 $0x100000, s0;
	[bflag:$0x2] =	sbarrier.arrive $0xFFFF  }
0x40: {  	[sflag:s0] =	ssyncadd.tile.s32 @!p0 $0x1;
	s0 =	simm.s32 @!p0 $0x3F  }
0x41: {  	_ =	swait.ge @!p0 [sflag:s0], s1  }
0x42: {  	s1 =	ssub.s32 @!p0 $0x0, s1;
	[sflag:s0] =	ssyncset.done @!p0 $0x0  }
0x43: {  	[sflag:s0] =	ssyncadd.s32 @!p0 s1  }
0x44: {  	[bflag:$0x3] =	sbarrier.arrive $0xFFFF  }
0x45: {  	_ =	shalt  }
.LBB2_1:
.Ltmp3:
0x46: {  	(pc) =	sbr.rel .LBB2_4-.Ltmp3, $2  }
0x47: {  	_ =	sdelay $0x2  }
0x48: {  	s8 =	simm.s32 $0x0  }
.Lfunc_end2:
execute1_lowered:
.L_overlay_start_2:
0x49: {  	(tag) =	ssettag $0x2  }
0x4a: {  	s2 =	rddreg [dreg:$0x0]  }
0x4b: {  	s0 =	rddreg [dreg:$0x1];
	_ =	strace $0x80000056;
	s3 =	stileid.u32  }
0x4c: {  	s4 =	simm.s32 $0x3E;
	s1 =	sadd.s32 $0x5E00, s2;
	p0 =	sne.s32 s3, $0x0  }
0x4d: {  	[sflag:s4] =	ssyncpa.u1 $0x0;
	s5 =	simm.s32 @!p0 $0x1C3E;
	s6 =	simm.s32 @!p0 $0x0  }
0x4e: {  	[spmem:s6], [sflag:s5] =	dma.local @!p0 [hbm:s1], $0x10  }
0x4f: {  	s5 =	simm.s32 @!p0 $0x3E  }
0x50: {  	_ =	swait.ge @!p0 [sflag:s5], $0x10  }
0x51: {  	[sflag:s5] =	ssyncset.done @!p0 $0x0  }
0x52: {  	s26 =	simm.s32 $0x1;
	[sflag:s5] =	ssyncadd.s32 @!p0 $0xFFFFFFF0  }
0x53: {  	s28 =	simm.s32 $0x2;
	s7 =	simm.s32 $0x628;
	[bflag:$0x0] =	sbarrier.arrive $0xFFFF  }
0x54: {  	s3 =	smul.u32 $0xC4, s3;
	s29 =	sadd.s32 $0x1400, s2;
	[sflag:s4] =	ssyncpa.u1 $0x1  }
0x55: {  	s30 =	sadd.s32 $0x4C00, s2;
	s2 =	simm.s32 $0x0;
	[sflag:s26] =	ssyncpa.u1 $0x0  }
0x56: {  	s5 =	sadd.s32 s29, s3;
	(ifvalue) =	ssetifvalue $0x80;
	[sflag:s28] =	ssyncpa.u1 $0x0  }
0x57: {  	[tilespmem:s7], [sflag:$0x2] =	stream.linear.gather [hbm4b:s5+s2], $0x620, $0x38;
	[tilespmem:$0x1888] =	vst v63  }
0x58: {  	s31 =	sadd.s32 s30, s3;
	s3 =	simm.s32 $0x1268  }
0x59: {  	[tilespmem:s3], [sflag:$0x2] =	stream.linear.gather [hbm4b:s31+s2], $0x620, $0x38;
	[tilespmem:$0x1888] =	vst v63  }
0x5a: {  	_ =	swait.ge [sflag:s28], $0xC40  }
0x5b: {  	[sflag:s28] =	ssyncset.done $0x0  }
0x5c: {  	[sflag:s28] =	ssyncadd.s32 $0xFFFFF3C0  }
0x5d: {  	v0 =	vld.msk [tilespmem:s7+$0x0 ss:$0x1], $0xffff;
	_ =	sdelay $0x4  }
0x5e: {  	v0 =	vmin.u32 v0, $0x80;
	_ =	sdelay $0x3  }
0x5f: {  	vm0 =	vmmov $0xffff;
	s4 =	simm.s32 $0x0;
	s5 =	simm.s32 $0x638  }
0x60: {  	[spmem:s2] =	stream.indirect_vreg.scatter.add.s32 [tilespmem:s3], [sflag:$0x1], $0x1, v0, vm0, $0x4038;
	[tilespmem:$0x1888] =	vst v63  }
.LBB3_1:
0x61: {  	v0 =	vld.msk [tilespmem:s5+$0x0 ss:$0x1], $0xffff;
	s4 =	sadd.s32 $0x10, s4  }
0x62: {  	p1 =	slt.u32 s4, $0x610;
	_ =	sdelay $0x4  }
0x63: {  	v0 =	vmin.u32 v0, $0x80  }
.Ltmp4:
0x64: {  	(pc) =	sbr.rel @p1 .LBB3_1-.Ltmp4, $3  }
0x65: {  	_ =	sdelay $0x1  }
0x66: {  	s5 =	sadd.s32 $0x10, s5;
	s3 =	sadd.s32 $0x10, s3  }
0x67: {  	[spmem:s2] =	stream.indirect_vreg.scatter.add.s32 [tilespmem:s3], [sflag:$0x1], $0x1, v0, vm0, $0x4038;
	[tilespmem:$0x1888] =	vst v63  }
0x68: {  	s2 =	simm.s32 $0x1  }
0x69: {  	_ =	swait.ge [sflag:s2], $0x620  }
0x6a: {  	[sflag:s2] =	ssyncset.done $0x0  }
0x6b: {  	[sflag:s2] =	ssyncadd.s32 $0xFFFFF9E0  }
0x6c: {  	_ =	sfence.sel $0x180000  }
0x6d: {  	s3 =	simm.s32 $0x2;
	[bflag:$0x0] =	sbarrier.arrive $0xFFFF  }
0x6e: {  	[sflag:s3] =	ssyncpa.u1 $0x1  }
0x6f: {  	[sflag:s2] =	ssyncpa.u1 $0x1  }
0x70: {  	_ =	sfence.stream.spmem  }
0x71: {  	s31 =	simm.s32 $0x3D;
	[bflag:$0x0] =	sbarrier.arrive $0xFFFF  }
0x72: {  	s2 =	simm.s32 @p0 $0x3D;
	[sflag:s31] =	ssyncpa.u1 $0x0  }
0x73: {  	[sflag:s2] =	ssyncpa.u1 @p0 $0x1  }
0x74: {  	[bflag:$0x0] =	sbarrier.arrive @p0 $0xFFFF  }
0x75: {  	_ =	strace @p0 $0x90000056  }
0x76: {  	s3 =	simm.s32 @!p0 $0x1C3D;
	s2 =	simm.s32 @!p0 $0x0;
	[bflag:$0x2] =	sbarrier.arrive @p0 $0xFFFF  }
0x77: {  	[hbm:s1], [sflag:s3] =	dma.local @!p0 [spmem:s2], $0x10  }
0x78: {  	s1 =	simm.s32 @!p0 $0x3D  }
0x79: {  	_ =	swait.ge @!p0 [sflag:s1], $0x10  }
0x7a: {  	[sflag:s1] =	ssyncset.done @!p0 $0x0  }
0x7b: {  	[sflag:s1] =	ssyncadd.s32 @!p0 $0xFFFFFFF0  }
0x7c: {  	[sflag:s1] =	ssyncpa.u1 @!p0 $0x1  }
0x7d: {  	[bflag:$0x0] =	sbarrier.arrive @!p0 $0xFFFF  }
0x7e: {  	_ =	strace @!p0 $0x90000056  }
0x7f: {  	s0 =	sadd.s32 @!p0 $0x100000, s0;
	[bflag:$0x2] =	sbarrier.arrive @!p0 $0xFFFF  }
0x80: {  	[sflag:s0] =	ssyncadd.tile.s32 @!p0 $0x1;
	_ =	shalt  }
.Lfunc_end3:
_tile_overlayer_lowered:
.L_overlay_start_3:
0x81: {  	(tag) =	ssettag $0x3  }
0x82: {  	s0 =	rddreg [dreg:$0x0];
	s2 =	stileid.u32  }
0x83: {  	s1 =	rddreg [dreg:$0x1];
	p0 =	sne.s32 s2, $0x0  }
0x84: {  	s3 =	rddreg [dreg:$0x2];
	[bflag:$0x3] =	sbarrier.arrive $0xFFFF;
	s2 =	simm.s32 @!p0 $0x1C01  }
0x85: {  	[timem:s3], [sflag:s2] =	dma.local @!p0 [hbm:s0], s1  }
0x86: {  	s0 =	simm.s32 @!p0 $0x1  }
0x87: {  	_ =	swait.ge @!p0 [sflag:s0], s1  }
0x88: {  	s1 =	ssub.s32 @!p0 $0x0, s1;
	[sflag:s0] =	ssyncset.done @!p0 $0x0  }
0x89: {  	[sflag:s0] =	ssyncadd.s32 @!p0 s1  }
0x8a: {  	[bflag:$0x3] =	sbarrier.arrive $0xFFFF  }
0x8b: {  	_ =	shalt  }

// kernel: scatter_offload_async_start.3
scs
__scs_entry_jumppad:
0x0: {  	(pc) =	sbr.rel $0x88, $3  }
0x1: {  	(tag) =	ssettag $0x0;
	lr =	simm.s32 $0x1  }
0x2: {  	[smem:$0x3F9D] =	sst lr;
	_ =	strace $0xD0000000  }
0x3: {  	_ = 	snop  }
0x4: {  	_ = 	snop  }
0x5: {  	_ = 	snop  }
0x6: {  	_ = 	snop  }
0x7: {  	_ = 	snop  }
__scs_overlays_trampoline_lowered:
0x8: {  	[smem:$0x3FAC] =	sst s0  }
0x9: {  	[smem:$0x3FAD] =	sst s1  }
0xa: {  	[smem:$0x3FAE] =	sst s2  }
0xb: {  	[smem:$0x3FAF] =	sst s3  }
0xc: {  	[smem:$0x3FB0] =	sst s4  }
0xd: {  	[smem:$0x3FB1] =	sst s5  }
0xe: {  	[smem:$0x3FB2] =	sst s6  }
0xf: {  	[smem:$0x3FB3] =	sst s7  }
0x10: {  	[smem:$0x3FB4] =	sst s8  }
0x11: {  	[smem:$0x3FB5] =	sst s9;
	s0 =	simm.s32 @!p0 $0x0  }
0x12: {  	s1 =	sld [smem:$0x3F9B];
	s0 =	simm.s32 @p0 $0x1  }
0x13: {  	[smem:$0x3FB6] =	sst s0;
	s0 =	simm.s32 @!p1 $0x0  }
0x14: {  	s2 =	sld [smem:$0x3F9A];
	s0 =	simm.s32 @p1 $0x1  }
0x15: {  	[smem:$0x3FB7] =	sst s0;
	s0 =	simm.s32 @!p2 $0x0  }
0x16: {  	s3 =	sld [smem:$0x3FDB];
	s0 =	simm.s32 @p2 $0x1  }
0x17: {  	s4 =	simm.s32 $0x1BF5;
	[smem:$0x3FB9] =	sst s0  }
0x18: {  	s0 =	sld [smem:$0x3F9C];
	_ =	swait.ge [sflag:s4], $0x0  }
0x19: {  	s7 =	sld [smem:$0x3F9D]  }
0x1a: {  	s8 =	sadd.s32 $0xFFFFE003, lr  }
0x1b: {  	s9 =	sadd.s32 $0xFFFFFEF7, lr;
	s5 =	simm.s32 $0xFFFFFFFF;
	p2 =	slt.u32 s8, $0xFFFFF086  }
0x1c: {  	p1 =	slt.u32 s9, $0xF7A;
	s5 =	simm.s32 @!p2 $0x0  }
0x1d: {  	s5 =	simm.s32 @p1 $0x1;
	p0 =	seq.s32 s7, s2  }
0x1e: {  	s7 =	smul.u32 @!p0 $0xF7A, s2;
	p2 =	seq.s32 @!p0 s5, $0x0  }
0x1f: {  	s9 =	smul.u32 $0xF7A, s1;
	s8 =	simm.s32 @!p0 $0x1BF5;
	p2 =	por !p2, p0  }
0x20: {  	[sflag:s8] =	ssyncset.s32 @!p0 $0xFFFFF086;
	s6 =	sadd.s32 @!p0 s3, s7;
	s7 =	simm.s32 @!p0 $0x108  }
0x21: {  	s3 =	sadd.s32 s3, s9;
	s6 =	sadd.s32 @!p0 $0x88, s6;
	s7 =	simm.s32 @p2 $0x1082  }
0x22: {  	[simem:s7], [sflag:s8] =	dma.local @!p0 [hbm:s6], $0xF7A  }
0x23: {  	s9 =	sor.u32 $0xD0000000, s2;
	s6 =	simm.s32 $0x108;
	_ =	swait.ge @!p0 [sflag:s8], $0x0  }
0x24: {  	s3 =	sadd.s32 $0x88, s3;
	s6 =	simm.s32 @!p1 $0x1082;
	[sflag:s4] =	ssyncset.s32 $0xFFFFF086  }
0x25: {  	[simem:s6], [sflag:s4] =	dma.local [hbm:s3], $0xF7A  }
0x26: {  	[smem:$0x3F9D] =	sst s1;
	(tag) =	ssettag s2;
	_ =	strace s9  }
0x27: {  	s1 =	sld [smem:$0x3FAD]  }
0x28: {  	s2 =	sld [smem:$0x3FAE]  }
0x29: {  	s4 =	sld [smem:$0x3FB0]  }
0x2a: {  	p0 =	seq.s32 s5, $0x0;
	s5 =	sld [smem:$0x3FB1]  }
0x2b: {  	s6 =	sld [smem:$0x3FB2]  }
0x2c: {  	s7 =	sld [smem:$0x3FB3]  }
0x2d: {  	s3 =	simm.s32 $0x108;
	s8 =	sld [smem:$0x3FB4]  }
0x2e: {  	s3 =	simm.s32 @!p0 $0x1082;
	s9 =	sld [smem:$0x3FB5]  }
0x2f: {  	lr =	sadd.s32 s0, s3;
	s0 =	sld [smem:$0x3FAC]  }
0x30: {  	s3 =	sld [smem:$0x3FAF]  }
0x31: {  	[smem:$0x3FB8] =	sst s10  }
0x32: {  	s10 =	sld [smem:$0x3FB6];
	_ =	sdelay $0x3  }
0x33: {  	p0 =	seq.s32 s10, $0x1;
	s10 =	sld [smem:$0x3FB8];
	_ =	sdelay $0x3  }
0x34: {  	[smem:$0x3FB8] =	sst s10  }
0x35: {  	s10 =	sld [smem:$0x3FB7];
	_ =	sdelay $0x3  }
0x36: {  	p1 =	seq.s32 s10, $0x1;
	s10 =	sld [smem:$0x3FB8];
	_ =	sdelay $0x3  }
0x37: {  	[smem:$0x3FB8] =	sst s10  }
0x38: {  	s10 =	sld [smem:$0x3FB9]  }
0x39: {  	_ = 	snop;
	(pc) =	sbr.ind lr, $3  }
0x3a: {  	_ = 	snop  }
0x3b: {  	_ = 	snop  }
0x3c: {  	p2 =	seq.s32 s10, $0x1;
	s10 =	sld [smem:$0x3FB8]  }
0x3d: {  	_ =	shalt  }
0x3e: {  	_ =	shalt  }
0x3f: {  	_ =	shalt  }
0x40: {  	_ =	shalt  }
0x41: {  	_ =	shalt  }
0x42: {  	_ =	shalt  }
0x43: {  	_ =	shalt  }
0x44: {  	_ =	shalt  }
0x45: {  	_ =	shalt  }
0x46: {  	_ =	shalt  }
0x47: {  	_ =	shalt  }
0x48: {  	_ =	shalt  }
0x49: {  	_ =	shalt  }
0x4a: {  	_ =	shalt  }
0x4b: {  	_ =	shalt  }
0x4c: {  	_ =	shalt  }
0x4d: {  	_ =	shalt  }
0x4e: {  	_ =	shalt  }
0x4f: {  	_ =	shalt  }
0x50: {  	_ =	shalt  }
0x51: {  	_ =	shalt  }
0x52: {  	_ =	shalt  }
0x53: {  	_ =	shalt  }
0x54: {  	_ =	shalt  }
0x55: {  	_ =	shalt  }
0x56: {  	_ =	shalt  }
0x57: {  	_ =	shalt  }
0x58: {  	_ =	shalt  }
0x59: {  	_ =	shalt  }
0x5a: {  	_ =	shalt  }
0x5b: {  	_ =	shalt  }
0x5c: {  	_ =	shalt  }
0x5d: {  	_ =	shalt  }
0x5e: {  	_ =	shalt  }
0x5f: {  	_ =	shalt  }
0x60: {  	_ =	shalt  }
0x61: {  	_ =	shalt  }
0x62: {  	_ =	shalt  }
0x63: {  	_ =	shalt  }
0x64: {  	_ =	shalt  }
0x65: {  	_ =	shalt  }
0x66: {  	_ =	shalt  }
0x67: {  	_ =	shalt  }
0x68: {  	_ =	shalt  }
0x69: {  	_ =	shalt  }
0x6a: {  	_ =	shalt  }
0x6b: {  	_ =	shalt  }
0x6c: {  	_ =	shalt  }
0x6d: {  	_ =	shalt  }
0x6e: {  	_ =	shalt  }
0x6f: {  	_ =	shalt  }
0x70: {  	_ =	shalt  }
0x71: {  	_ =	shalt  }
0x72: {  	_ =	shalt  }
0x73: {  	_ =	shalt  }
0x74: {  	_ =	shalt  }
0x75: {  	_ =	shalt  }
0x76: {  	_ =	shalt  }
0x77: {  	_ =	shalt  }
0x78: {  	_ =	shalt  }
0x79: {  	_ =	shalt  }
0x7a: {  	_ =	shalt  }
0x7b: {  	_ =	shalt  }
0x7c: {  	_ =	shalt  }
0x7d: {  	_ =	shalt  }
0x7e: {  	_ =	shalt  }
0x7f: {  	_ =	shalt  }
0x80: {  	_ =	shalt  }
0x81: {  	_ =	shalt  }
0x82: {  	_ =	shalt  }
0x83: {  	_ =	shalt  }
0x84: {  	_ =	shalt  }
0x85: {  	_ =	shalt  }
0x86: {  	_ =	shalt  }
0x87: {  	_ =	shalt  }
.Lfunc_end0:
.L_simem_size_0:
called_computation.3_lowered:
.L_overlay_start_0:
0x88: {  	s0 =	sld [smem:$0x3FD9]  }
0x89: {  	s1 =	sld [smem:$0x3FFE];
	_ =	sdelay $0x3  }
0x8a: {  	s0 =	sadd.s32 s1, s0  }
0x8b: {  	[smem:$0x3FC4] =	sst s0  }
0x8c: {  	_ = 	snop  }
0x8d: {  	(tm) =	ssettm $0x1  }
0x8e: {  	s14 =	sld [smem:$0x3FFB];
	_ =	sdelay $0x3  }
0x8f: {  	_ =	strace s14  }
0x90: {  	s0 =	sld [smem:$0x3FFC];
	_ =	sdelay $0x3  }
0x91: {  	_ =	strace s0  }
0x92: {  	s0 =	sld [smem:$0x3FFD];
	_ =	sdelay $0x3  }
0x93: {  	_ =	strace s0  }
0x94: {  	_ =	strace $0x8FFFFFFF  }
0x95: {  	s15 =	sld [smem:$0x3FDB];
	_ =	sdelay $0x1  }
0x96: {  	s16 =	simm.s32 $_scs_section_size  }
0x97: {  	s2 =	simm.s32 $_size__tile_overlayer_lowered;
	s3 =	simm.s32 $_tile_overlayer_lowered  }
0x98: {  	s4 =	simm.s32 $0x1BFF;
	s17 =	sshll.u32 s3, $0x1;
	s1 =	sadd.s32 s16, s15  }
0x99: {  	s18 =	simm.s32 $0x0;
	s2 =	sshll.u32 s2, $0x1;
	s3 =	sadd.s32 s17, s1  }
0x9a: {  	[timem:s18], [sflag:s4] =	dma.local [hbm:s3], s2  }
0x9b: {  	_ =	swait.ge [sflag:s4], s2  }
0x9c: {  	s2 =	ssub.s32 $0x0, s2;
	[sflag:s4] =	ssyncset.done $0x0  }
0x9d: {  	[sflag:s4] =	ssyncadd.s32 s2;
	_ =	sdelay $0x1  }
0x9e: {  	s19 =	simm.s32 $0x1B8B  }
0x9f: {  	_ =	swait.ge [sflag:s19], $0x1  }
0xa0: {  	[sflag:s19] =	ssyncset.done $0x0  }
0xa1: {  	s21 =	simm.s32 $0x1B8E;
	s20 =	sld [smem:$0x3FFE];
	[sflag:s19] =	ssyncadd.s32 $0xFFFFFFFF  }
0xa2: {  	s22 =	simm.s32 $execute0_lowered;
	[smem:$0x3FD2] =	sst s21  }
0xa3: {  	s3 =	sshll.u32 s22, $0x1;
	_ =	strace $0x80000058;
	[dreg:$0x1] =	wrdreg $0xFFFFFFFF  }
0xa4: {  	s23 =	simm.s32 $_size_execute0_lowered;
	s3 =	sadd.s32 s1, s3;
	[dreg:$0x0] =	wrdreg $0x0  }
0xa5: {  	s4 =	sshll.u32 s23, $0x1;
	[dreg:$0x2] =	wrdreg s3  }
0xa6: {  	[dreg:$0x3] =	wrdreg s4  }
0xa7: {  	[dreg:$0x4] =	wrdreg $0xC0  }
0xa8: {  	s24 =	simm.s32 $execute1_lowered;
	_ =	task [dreg:s18], $0x5FFFF  }
0xa9: {  	s3 =	sshll.u32 s24, $0x1;
	[dreg:$0x1] =	wrdreg $0xFFFFFFFF  }
0xaa: {  	s1 =	sadd.s32 s1, s3;
	[dreg:$0x0] =	wrdreg $0x60  }
0xab: {  	[dreg:$0x2] =	wrdreg s1  }
0xac: {  	[dreg:$0x3] =	wrdreg s20  }
0xad: {  	[dreg:$0x4] =	wrdreg $0xF  }
0xae: {  	_ =	task.clear_ibuf [dreg:s18], $0x5FFFF;
	_ =	strace $0x90000058  }
0xaf: {  	s25 =	simm.s32 $0xF;
	_ =	strace $0x8000005A  }
0xb0: {  	_ =	swait.ge [sflag:s25], $0x1  }
0xb1: {  	[sflag:s25] =	ssyncadd.s32 $0xFFFFFFFF  }
0xb2: {  	_ =	strace $0x9000005A  }
0xb3: {  	_ =	strace $0x8000005B;
	[dreg:$0x1] =	wrdreg $0xFFFFFFFF  }
0xb4: {  	[dreg:$0x0] =	wrdreg $0x2030  }
0xb5: {  	[dreg:$0x2] =	wrdreg s20  }
0xb6: {  	[dreg:$0x3] =	wrdreg $0x10  }
0xb7: {  	_ =	task.clear_ibuf [dreg:s18], $0x4FFFF;
	_ =	strace $0x9000005B  }
0xb8: {  	s26 =	simm.s32 $0x10;
	_ =	strace $0x8000005D  }
0xb9: {  	_ =	swait.ge [sflag:s26], $0x1  }
0xba: {  	[sflag:s26] =	ssyncadd.s32 $0xFFFFFFFF  }
0xbb: {  	_ =	strace $0x9000005D  }
0xbc: {  	_ =	sfence  }
0xbd: {  	s28 =	sld [smem:$0x0];
	_ =	sdelay $0x1  }
0xbe: {  	s29 =	srdreg.scid  }
0xbf: {  	s30 =	sshll.u32 s29, $0xD;
	s31 =	sshrl.u32 s29, $0x2  }
0xc0: {  	s2 =	sand.u32 $0x1, s29;
	s3 =	sand.u32 $0x4000, s30;
	s1 =	sadd.s32 s31, s28  }
0xc1: {  	s2 =	sor.u32 s3, s2;
	s1 =	sshll.u32 s1, $0x11  }
0xc2: {  	s1 =	sor.u32 s1, s2  }
0xc3: {  	s1 =	sadd.s32 $0x8F2B, s1  }
0xc4: {  	[sflag:s1] =	ssyncadd.remote.s32 $0x1  }
0xc5: {  	_ =	sfence.sel $0xFFFF  }
0xc6: {  	[dreg:$0x0] =	wrdreg $0xFFFFFFFF;
	(pc) =	sbr.abs _section_cstart, $3  }
0xc7: {  	[dreg:$0x1] =	wrdreg $0xFFFFFFFF  }
0xc8: {  	_ =	task.clear_ibuf [dreg:s18], $0x2FFFF;
	_ =	strace $0x9FFFFFFF  }
0xc9: {  	(tm) =	ssettm $0x7FFFFFFF  }
tec
execute0_lowered:
.L_overlay_start_1:
0x0: {  	(tag) =	ssettag $0x1  }
0x1: {  	s3 =	rddreg [dreg:$0x0]  }
0x2: {  	s6 =	rddreg [dreg:$0x1]  }
0x3: {  	s0 =	rddreg [dreg:$0x2]  }
0x4: {  	s2 =	stileid.u32;
	[bflag:$0x3] =	sbarrier.arrive $0xFFFF;
	s1 =	simm.s32 $_size_execute1_lowered  }
0x5: {  	p0 =	sne.s32 s2, $0x0;
	s1 =	sshll.u32 s1, $0x1;
	s31 =	sshll.u32 s2, $0x3  }
0x6: {  	s4 =	simm.s32 @!p0 $0x1C3F;
	s5 =	simm.s32 @!p0 $0x4060;
	s7 =	ssub.s32 $0x10, s31  }
0x7: {  	[timem:s5], [sflag:s4] =	dma.local @!p0 [hbm:s3], s1  }
0x8: {  	p1 =	sgt.s32 s7, $0x0  }
0x9: {  	s7 =	simm.s32 @!p1 $0x0  }
0xa: {  	s7 =	sand.u32 $0x78, s7  }
0xb: {  	s10 =	simm.s32 $0x3;
	p1 =	sne.s32 s7, $0x0  }
0xc: {  	s10 =	simm.s32 @!p1 $0x2  }
0xd: {  	p3 =	sne.s32 s10, $0x1  }
.Ltmp0:
0xe: {  	s9 =	simm.s32 $0x0;
	s8 =	simm.s32 $0x1;
	(pc) =	sbr.rel @!p3 .LBB2_1-.Ltmp0, $4  }
0xf: {  	s13 =	simm.s32 $0xFFFFFFFF;
	s3 =	simm.s32 $0x1;
	s4 =	simm.s32 $0x2  }
0x10: {  	s5 =	sadd.s32 $0x200, s6;
	_ =	strace $0x80000059;
	s7 =	simm.s32 $0x1  }
0x11: {  	s6 =	sadd.s32 s2, s6;
	[sflag:s3] =	ssyncpa.u1 $0x0;
	s7 =	simm.s32 @!p1 $0x0  }
0x12: {  	[sflag:s4] =	ssyncpa.u1 $0x0;
	p1 =	por $0x0, $0x0;
	p2 =	sle.u32 s7, $0x0  }
0x13: {  	p1 =	sle.u32 s7, $0xFFFFFFFF  }
0x14: {  	s11 =	simm.s32 @!p2 $0x8;
	s12 =	simm.s32 @!p2 $0x0;
	s13 =	simm.s32 @!p1 $0x1  }
0x15: {  	[tilespmem:s11], [sflag:$0x1] =	stream.linear.gather @!p2 [hbm4b:s6+s12], $0x8, $0x38;
	[tilespmem:$0x20] =	vst v63  }
0x16: {  	_ =	swait.ge @!p1 [sflag:s13], $0x8  }
0x17: {  	[sflag:s13] =	ssyncset.done @!p1 $0x0  }
0x18: {  	s9 =	sand.u32 @!p1 $0x8, s9;
	[sflag:s13] =	ssyncadd.s32 @!p1 $0xFFFFFFF8  }
0x19: {  	v0 =	vld.msk @!p1 [tilespmem:s9+$0x0], $0xff;
	_ =	sdelay $0x2  }
0x1a: {  	p4 =	sne.s32 s10, $0x2  }
.Ltmp1:
0x1b: {  	p3 =	por $0x1, $0x1;
	s9 =	sor.u32 @!p1 $0x10, s9;
	(pc) =	sbr.rel @!p4 .LBB2_4-.Ltmp1, $4  }
0x1c: {  	s11 =	simm.s32 $0x2;
	s12 =	sadd.s32 @!p1 s5, s2;
	s13 =	simm.s32 @!p1 $0x0;
	[tilespmem:s9+$0x0] =	vst.msk @!p1 $0xff, v0  }
0x1d: {  	[hbm4b:s12+s13] =	stream.linear.scatter @!p1 [tilespmem:s9], [sflag:$0x2], $0x8, $0x38;
	[tilespmem:$0x20] =	vst v63  }
0x1e: {  	p2 =	sle.u32 s7, $0x1;
	s12 =	simm.s32 @!p3 $0x2;
	s9 =	simm.s32 $0x8  }
0x1f: {  	s13 =	simm.s32 $0x0;
	p1 =	por $0x1, $0x1;
	_ =	swait.ge @!p3 [sflag:s12], $0x8  }
.LBB2_3:
0x20: {  	s14 =	simm.s32 @!p2 $0x8;
	p4 =	sge.u32 s13, s7;
	[sflag:s12] =	ssyncset.done @!p3 $0x0  }
0x21: {  	s13 =	simm.s32 @!p2 $0x0;
	s15 =	simm.s32 @!p4 $0x1;
	[sflag:s12] =	ssyncadd.s32 @!p3 $0xFFFFFFF8  }
0x22: {  	[tilespmem:s14], [sflag:$0x1] =	stream.linear.gather @!p2 [hbm4b:s6+s13], $0x8, $0x38;
	[tilespmem:$0x20] =	vst v63  }
0x23: {  	s13 =	smov.u32 s11;
	s11 =	sadd.s32 $0x1, s11;
	_ =	swait.ge @!p4 [sflag:s15], $0x8  }
0x24: {  	s12 =	sand.u32 @!p4 $0x8, s9;
	p5 =	sne.s32 s11, s10;
	[sflag:s15] =	ssyncset.done @!p4 $0x0  }
0x25: {  	[sflag:s15] =	ssyncadd.s32 @!p4 $0xFFFFFFF8  }
0x26: {  	v0 =	vld.msk @!p4 [tilespmem:s12+$0x0], $0xff;
	_ =	sdelay $0x2  }
.Ltmp2:
0x27: {  	s14 =	sor.u32 @!p4 $0x10, s12;
	(pc) =	sbr.rel @p5 .LBB2_3-.Ltmp2, $4  }
0x28: {  	s16 =	simm.s32 @!p4 $0x0;
	p3 =	slt.u32 s8, $0x2;
	s15 =	sadd.s32 @!p4 s5, s2  }
0x29: {  	s9 =	sadd.s32 $0x8, s9;
	s8 =	smov.u32 s13;
	s12 =	simm.s32 @!p3 $0x2;
	[tilespmem:s14+$0x0] =	vst.msk @!p4 $0xff, v0  }
0x2a: {  	[hbm4b:s15+s16] =	stream.linear.scatter @!p4 [tilespmem:s14], [sflag:$0x2], $0x8, $0x38;
	[tilespmem:$0x20] =	vst v63  }
0x2b: {  	p2 =	sge.u32 s8, s7;
	s13 =	sadd.s32 $0xFFFFFFFF, s8;
	_ =	swait.ge @!p3 [sflag:s12], $0x8  }
.LBB2_4:
0x2c: {  	p3 =	por p3, !p1  }
0x2d: {  	s10 =	simm.s32 @!p2 $0x8;
	p1 =	sge.u32 s13, s7;
	[sflag:s12] =	ssyncset.done @!p3 $0x0  }
0x2e: {  	s7 =	simm.s32 @!p2 $0x0;
	s11 =	simm.s32 @!p1 $0x1;
	[sflag:s12] =	ssyncadd.s32 @!p3 $0xFFFFFFF8  }
0x2f: {  	[tilespmem:s10], [sflag:$0x1] =	stream.linear.gather @!p2 [hbm4b:s6+s7], $0x8, $0x38;
	[tilespmem:$0x20] =	vst v63  }
0x30: {  	_ =	swait.ge @!p1 [sflag:s11], $0x8  }
0x31: {  	[sflag:s11] =	ssyncset.done @!p1 $0x0  }
0x32: {  	s6 =	sand.u32 @!p1 $0x8, s9;
	[sflag:s11] =	ssyncadd.s32 @!p1 $0xFFFFFFF8  }
0x33: {  	v0 =	vld.msk @!p1 [tilespmem:s6+$0x0], $0xff;
	_ =	sdelay $0x3  }
0x34: {  	p2 =	slt.u32 s8, $0x2;
	s6 =	sor.u32 @!p1 $0x10, s6  }
0x35: {  	s2 =	sadd.s32 @!p1 s5, s2;
	s5 =	simm.s32 @!p1 $0x0;
	s7 =	simm.s32 @!p2 $0x2;
	[tilespmem:s6+$0x0] =	vst.msk @!p1 $0xff, v0  }
0x36: {  	[hbm4b:s2+s5] =	stream.linear.scatter @!p1 [tilespmem:s6], [sflag:$0x2], $0x8, $0x38;
	[tilespmem:$0x20] =	vst v63  }
0x37: {  	_ =	swait.ge @!p2 [sflag:s7], $0x8  }
0x38: {  	[sflag:s7] =	ssyncset.done @!p2 $0x0  }
0x39: {  	[sflag:s7] =	ssyncadd.s32 @!p2 $0xFFFFFFF8  }
0x3a: {  	_ =	sfence.sel $0x180000  }
0x3b: {  	[bflag:$0x0] =	sbarrier.arrive $0xFFFF  }
0x3c: {  	[sflag:s3] =	ssyncpa.u1 $0x1  }
0x3d: {  	[sflag:s4] =	ssyncpa.u1 $0x1  }
0x3e: {  	_ =	strace $0x90000059  }
0x3f: {  	s0 =	sadd.s32 @!p0 $0x100000, s0;
	[bflag:$0x2] =	sbarrier.arrive $0xFFFF  }
0x40: {  	[sflag:s0] =	ssyncadd.tile.s32 @!p0 $0x1;
	s0 =	simm.s32 @!p0 $0x3F  }
0x41: {  	_ =	swait.ge @!p0 [sflag:s0], s1  }
0x42: {  	s1 =	ssub.s32 @!p0 $0x0, s1;
	[sflag:s0] =	ssyncset.done @!p0 $0x0  }
0x43: {  	[sflag:s0] =	ssyncadd.s32 @!p0 s1  }
0x44: {  	[bflag:$0x3] =	sbarrier.arrive $0xFFFF  }
0x45: {  	_ =	shalt  }
.LBB2_1:
.Ltmp3:
0x46: {  	(pc) =	sbr.rel .LBB2_4-.Ltmp3, $2  }
0x47: {  	_ =	sdelay $0x2  }
0x48: {  	s8 =	simm.s32 $0x0  }
.Lfunc_end2:
execute1_lowered:
.L_overlay_start_2:
0x49: {  	(tag) =	ssettag $0x2  }
0x4a: {  	s2 =	rddreg [dreg:$0x0]  }
0x4b: {  	s0 =	rddreg [dreg:$0x1];
	_ =	strace $0x8000005C;
	s3 =	stileid.u32  }
0x4c: {  	s4 =	simm.s32 $0x3E;
	s1 =	sadd.s32 $0x200, s2;
	p0 =	sne.s32 s3, $0x0  }
0x4d: {  	[sflag:s4] =	ssyncpa.u1 $0x0;
	s5 =	simm.s32 @!p0 $0x1C3E;
	s6 =	simm.s32 @!p0 $0x0  }
0x4e: {  	[spmem:s6], [sflag:s5] =	dma.local @!p0 [hbm:s1], $0x10  }
0x4f: {  	s5 =	simm.s32 @!p0 $0x3E  }
0x50: {  	_ =	swait.ge @!p0 [sflag:s5], $0x10  }
0x51: {  	[sflag:s5] =	ssyncset.done @!p0 $0x0  }
0x52: {  	s26 =	simm.s32 $0x1;
	[sflag:s5] =	ssyncadd.s32 @!p0 $0xFFFFFFF0  }
0x53: {  	s28 =	simm.s32 $0x2;
	s7 =	simm.s32 $0x628;
	[bflag:$0x0] =	sbarrier.arrive $0xFFFF  }
0x54: {  	s3 =	smul.u32 $0xC4, s3;
	s29 =	sadd.s32 $0x2200, s2;
	[sflag:s4] =	ssyncpa.u1 $0x1  }
0x55: {  	s30 =	sadd.s32 $0x4C00, s2;
	s2 =	simm.s32 $0x0;
	[sflag:s26] =	ssyncpa.u1 $0x0  }
0x56: {  	s5 =	sadd.s32 s29, s3;
	(ifvalue) =	ssetifvalue $0x80;
	[sflag:s28] =	ssyncpa.u1 $0x0  }
0x57: {  	[tilespmem:s7], [sflag:$0x2] =	stream.linear.gather [hbm4b:s5+s2], $0x620, $0x38;
	[tilespmem:$0x1888] =	vst v63  }
0x58: {  	s31 =	sadd.s32 s30, s3;
	s3 =	simm.s32 $0x1268  }
0x59: {  	[tilespmem:s3], [sflag:$0x2] =	stream.linear.gather [hbm4b:s31+s2], $0x620, $0x38;
	[tilespmem:$0x1888] =	vst v63  }
0x5a: {  	_ =	swait.ge [sflag:s28], $0xC40  }
0x5b: {  	[sflag:s28] =	ssyncset.done $0x0  }
0x5c: {  	[sflag:s28] =	ssyncadd.s32 $0xFFFFF3C0  }
0x5d: {  	v0 =	vld.msk [tilespmem:s7+$0x0 ss:$0x1], $0xffff;
	_ =	sdelay $0x4  }
0x5e: {  	v0 =	vmin.u32 v0, $0x80;
	_ =	sdelay $0x3  }
0x5f: {  	vm0 =	vmmov $0xffff;
	s4 =	simm.s32 $0x0;
	s5 =	simm.s32 $0x638  }
0x60: {  	[spmem:s2] =	stream.indirect_vreg.scatter.add.s32 [tilespmem:s3], [sflag:$0x1], $0x1, v0, vm0, $0x4038;
	[tilespmem:$0x1888] =	vst v63  }
.LBB3_1:
0x61: {  	v0 =	vld.msk [tilespmem:s5+$0x0 ss:$0x1], $0xffff;
	s4 =	sadd.s32 $0x10, s4  }
0x62: {  	p1 =	slt.u32 s4, $0x610;
	_ =	sdelay $0x4  }
0x63: {  	v0 =	vmin.u32 v0, $0x80  }
.Ltmp4:
0x64: {  	(pc) =	sbr.rel @p1 .LBB3_1-.Ltmp4, $3  }
0x65: {  	_ =	sdelay $0x1  }
0x66: {  	s5 =	sadd.s32 $0x10, s5;
	s3 =	sadd.s32 $0x10, s3  }
0x67: {  	[spmem:s2] =	stream.indirect_vreg.scatter.add.s32 [tilespmem:s3], [sflag:$0x1], $0x1, v0, vm0, $0x4038;
	[tilespmem:$0x1888] =	vst v63  }
0x68: {  	s2 =	simm.s32 $0x1  }
0x69: {  	_ =	swait.ge [sflag:s2], $0x620  }
0x6a: {  	[sflag:s2] =	ssyncset.done $0x0  }
0x6b: {  	[sflag:s2] =	ssyncadd.s32 $0xFFFFF9E0  }
0x6c: {  	_ =	sfence.sel $0x180000  }
0x6d: {  	s3 =	simm.s32 $0x2;
	[bflag:$0x0] =	sbarrier.arrive $0xFFFF  }
0x6e: {  	[sflag:s3] =	ssyncpa.u1 $0x1  }
0x6f: {  	[sflag:s2] =	ssyncpa.u1 $0x1  }
0x70: {  	_ =	sfence.stream.spmem  }
0x71: {  	s31 =	simm.s32 $0x3D;
	[bflag:$0x0] =	sbarrier.arrive $0xFFFF  }
0x72: {  	s2 =	simm.s32 @p0 $0x3D;
	[sflag:s31] =	ssyncpa.u1 $0x0  }
0x73: {  	[sflag:s2] =	ssyncpa.u1 @p0 $0x1  }
0x74: {  	[bflag:$0x0] =	sbarrier.arrive @p0 $0xFFFF  }
0x75: {  	_ =	strace @p0 $0x9000005C  }
0x76: {  	s3 =	simm.s32 @!p0 $0x1C3D;
	s2 =	simm.s32 @!p0 $0x0;
	[bflag:$0x2] =	sbarrier.arrive @p0 $0xFFFF  }
0x77: {  	[hbm:s1], [sflag:s3] =	dma.local @!p0 [spmem:s2], $0x10  }
0x78: {  	s1 =	simm.s32 @!p0 $0x3D  }
0x79: {  	_ =	swait.ge @!p0 [sflag:s1], $0x10  }
0x7a: {  	[sflag:s1] =	ssyncset.done @!p0 $0x0  }
0x7b: {  	[sflag:s1] =	ssyncadd.s32 @!p0 $0xFFFFFFF0  }
0x7c: {  	[sflag:s1] =	ssyncpa.u1 @!p0 $0x1  }
0x7d: {  	[bflag:$0x0] =	sbarrier.arrive @!p0 $0xFFFF  }
0x7e: {  	_ =	strace @!p0 $0x9000005C  }
0x7f: {  	s0 =	sadd.s32 @!p0 $0x100000, s0;
	[bflag:$0x2] =	sbarrier.arrive @!p0 $0xFFFF  }
0x80: {  	[sflag:s0] =	ssyncadd.tile.s32 @!p0 $0x1;
	_ =	shalt  }
.Lfunc_end3:
_tile_overlayer_lowered:
.L_overlay_start_3:
0x81: {  	(tag) =	ssettag $0x3  }
0x82: {  	s0 =	rddreg [dreg:$0x0];
	s2 =	stileid.u32  }
0x83: {  	s1 =	rddreg [dreg:$0x1];
	p0 =	sne.s32 s2, $0x0  }
0x84: {  	s3 =	rddreg [dreg:$0x2];
	[bflag:$0x3] =	sbarrier.arrive $0xFFFF;
	s2 =	simm.s32 @!p0 $0x1C01  }
0x85: {  	[timem:s3], [sflag:s2] =	dma.local @!p0 [hbm:s0], s1  }
0x86: {  	s0 =	simm.s32 @!p0 $0x1  }
0x87: {  	_ =	swait.ge @!p0 [sflag:s0], s1  }
0x88: {  	s1 =	ssub.s32 @!p0 $0x0, s1;
	[sflag:s0] =	ssyncset.done @!p0 $0x0  }
0x89: {  	[sflag:s0] =	ssyncadd.s32 @!p0 s1  }
0x8a: {  	[bflag:$0x3] =	sbarrier.arrive $0xFFFF  }
0x8b: {  	_ =	shalt  }

// kernel: scatter_offload_async_start
scs
__scs_entry_jumppad:
0x0: {  	(pc) =	sbr.rel $0x88, $3  }
0x1: {  	(tag) =	ssettag $0x0;
	lr =	simm.s32 $0x1  }
0x2: {  	[smem:$0x3F9D] =	sst lr;
	_ =	strace $0xD0000000  }
0x3: {  	_ = 	snop  }
0x4: {  	_ = 	snop  }
0x5: {  	_ = 	snop  }
0x6: {  	_ = 	snop  }
0x7: {  	_ = 	snop  }
__scs_overlays_trampoline_lowered:
0x8: {  	[smem:$0x3FAC] =	sst s0  }
0x9: {  	[smem:$0x3FAD] =	sst s1  }
0xa: {  	[smem:$0x3FAE] =	sst s2  }
0xb: {  	[smem:$0x3FAF] =	sst s3  }
0xc: {  	[smem:$0x3FB0] =	sst s4  }
0xd: {  	[smem:$0x3FB1] =	sst s5  }
0xe: {  	[smem:$0x3FB2] =	sst s6  }
0xf: {  	[smem:$0x3FB3] =	sst s7  }
0x10: {  	[smem:$0x3FB4] =	sst s8  }
0x11: {  	[smem:$0x3FB5] =	sst s9;
	s0 =	simm.s32 @!p0 $0x0  }
0x12: {  	s1 =	sld [smem:$0x3F9B];
	s0 =	simm.s32 @p0 $0x1  }
0x13: {  	[smem:$0x3FB6] =	sst s0;
	s0 =	simm.s32 @!p1 $0x0  }
0x14: {  	s2 =	sld [smem:$0x3F9A];
	s0 =	simm.s32 @p1 $0x1  }
0x15: {  	[smem:$0x3FB7] =	sst s0;
	s0 =	simm.s32 @!p2 $0x0  }
0x16: {  	s3 =	sld [smem:$0x3FDB];
	s0 =	simm.s32 @p2 $0x1  }
0x17: {  	s4 =	simm.s32 $0x1BF5;
	[smem:$0x3FB9] =	sst s0  }
0x18: {  	s0 =	sld [smem:$0x3F9C];
	_ =	swait.ge [sflag:s4], $0x0  }
0x19: {  	s7 =	sld [smem:$0x3F9D]  }
0x1a: {  	s8 =	sadd.s32 $0xFFFFE003, lr  }
0x1b: {  	s9 =	sadd.s32 $0xFFFFFEF7, lr;
	s5 =	simm.s32 $0xFFFFFFFF;
	p2 =	slt.u32 s8, $0xFFFFF086  }
0x1c: {  	p1 =	slt.u32 s9, $0xF7A;
	s5 =	simm.s32 @!p2 $0x0  }
0x1d: {  	s5 =	simm.s32 @p1 $0x1;
	p0 =	seq.s32 s7, s2  }
0x1e: {  	s7 =	smul.u32 @!p0 $0xF7A, s2;
	p2 =	seq.s32 @!p0 s5, $0x0  }
0x1f: {  	s9 =	smul.u32 $0xF7A, s1;
	s8 =	simm.s32 @!p0 $0x1BF5;
	p2 =	por !p2, p0  }
0x20: {  	[sflag:s8] =	ssyncset.s32 @!p0 $0xFFFFF086;
	s6 =	sadd.s32 @!p0 s3, s7;
	s7 =	simm.s32 @!p0 $0x108  }
0x21: {  	s3 =	sadd.s32 s3, s9;
	s6 =	sadd.s32 @!p0 $0x88, s6;
	s7 =	simm.s32 @p2 $0x1082  }
0x22: {  	[simem:s7], [sflag:s8] =	dma.local @!p0 [hbm:s6], $0xF7A  }
0x23: {  	s9 =	sor.u32 $0xD0000000, s2;
	s6 =	simm.s32 $0x108;
	_ =	swait.ge @!p0 [sflag:s8], $0x0  }
0x24: {  	s3 =	sadd.s32 $0x88, s3;
	s6 =	simm.s32 @!p1 $0x1082;
	[sflag:s4] =	ssyncset.s32 $0xFFFFF086  }
0x25: {  	[simem:s6], [sflag:s4] =	dma.local [hbm:s3], $0xF7A  }
0x26: {  	[smem:$0x3F9D] =	sst s1;
	(tag) =	ssettag s2;
	_ =	strace s9  }
0x27: {  	s1 =	sld [smem:$0x3FAD]  }
0x28: {  	s2 =	sld [smem:$0x3FAE]  }
0x29: {  	s4 =	sld [smem:$0x3FB0]  }
0x2a: {  	p0 =	seq.s32 s5, $0x0;
	s5 =	sld [smem:$0x3FB1]  }
0x2b: {  	s6 =	sld [smem:$0x3FB2]  }
0x2c: {  	s7 =	sld [smem:$0x3FB3]  }
0x2d: {  	s3 =	simm.s32 $0x108;
	s8 =	sld [smem:$0x3FB4]  }
0x2e: {  	s3 =	simm.s32 @!p0 $0x1082;
	s9 =	sld [smem:$0x3FB5]  }
0x2f: {  	lr =	sadd.s32 s0, s3;
	s0 =	sld [smem:$0x3FAC]  }
0x30: {  	s3 =	sld [smem:$0x3FAF]  }
0x31: {  	[smem:$0x3FB8] =	sst s10  }
0x32: {  	s10 =	sld [smem:$0x3FB6];
	_ =	sdelay $0x3  }
0x33: {  	p0 =	seq.s32 s10, $0x1;
	s10 =	sld [smem:$0x3FB8];
	_ =	sdelay $0x3  }
0x34: {  	[smem:$0x3FB8] =	sst s10  }
0x35: {  	s10 =	sld [smem:$0x3FB7];
	_ =	sdelay $0x3  }
0x36: {  	p1 =	seq.s32 s10, $0x1;
	s10 =	sld [smem:$0x3FB8];
	_ =	sdelay $0x3  }
0x37: {  	[smem:$0x3FB8] =	sst s10  }
0x38: {  	s10 =	sld [smem:$0x3FB9]  }
0x39: {  	_ = 	snop;
	(pc) =	sbr.ind lr, $3  }
0x3a: {  	_ = 	snop  }
0x3b: {  	_ = 	snop  }
0x3c: {  	p2 =	seq.s32 s10, $0x1;
	s10 =	sld [smem:$0x3FB8]  }
0x3d: {  	_ =	shalt  }
0x3e: {  	_ =	shalt  }
0x3f: {  	_ =	shalt  }
0x40: {  	_ =	shalt  }
0x41: {  	_ =	shalt  }
0x42: {  	_ =	shalt  }
0x43: {  	_ =	shalt  }
0x44: {  	_ =	shalt  }
0x45: {  	_ =	shalt  }
0x46: {  	_ =	shalt  }
0x47: {  	_ =	shalt  }
0x48: {  	_ =	shalt  }
0x49: {  	_ =	shalt  }
0x4a: {  	_ =	shalt  }
0x4b: {  	_ =	shalt  }
0x4c: {  	_ =	shalt  }
0x4d: {  	_ =	shalt  }
0x4e: {  	_ =	shalt  }
0x4f: {  	_ =	shalt  }
0x50: {  	_ =	shalt  }
0x51: {  	_ =	shalt  }
0x52: {  	_ =	shalt  }
0x53: {  	_ =	shalt  }
0x54: {  	_ =	shalt  }
0x55: {  	_ =	shalt  }
0x56: {  	_ =	shalt  }
0x57: {  	_ =	shalt  }
0x58: {  	_ =	shalt  }
0x59: {  	_ =	shalt  }
0x5a: {  	_ =	shalt  }
0x5b: {  	_ =	shalt  }
0x5c: {  	_ =	shalt  }
0x5d: {  	_ =	shalt  }
0x5e: {  	_ =	shalt  }
0x5f: {  	_ =	shalt  }
0x60: {  	_ =	shalt  }
0x61: {  	_ =	shalt  }
0x62: {  	_ =	shalt  }
0x63: {  	_ =	shalt  }
0x64: {  	_ =	shalt  }
0x65: {  	_ =	shalt  }
0x66: {  	_ =	shalt  }
0x67: {  	_ =	shalt  }
0x68: {  	_ =	shalt  }
0x69: {  	_ =	shalt  }
0x6a: {  	_ =	shalt  }
0x6b: {  	_ =	shalt  }
0x6c: {  	_ =	shalt  }
0x6d: {  	_ =	shalt  }
0x6e: {  	_ =	shalt  }
0x6f: {  	_ =	shalt  }
0x70: {  	_ =	shalt  }
0x71: {  	_ =	shalt  }
0x72: {  	_ =	shalt  }
0x73: {  	_ =	shalt  }
0x74: {  	_ =	shalt  }
0x75: {  	_ =	shalt  }
0x76: {  	_ =	shalt  }
0x77: {  	_ =	shalt  }
0x78: {  	_ =	shalt  }
0x79: {  	_ =	shalt  }
0x7a: {  	_ =	shalt  }
0x7b: {  	_ =	shalt  }
0x7c: {  	_ =	shalt  }
0x7d: {  	_ =	shalt  }
0x7e: {  	_ =	shalt  }
0x7f: {  	_ =	shalt  }
0x80: {  	_ =	shalt  }
0x81: {  	_ =	shalt  }
0x82: {  	_ =	shalt  }
0x83: {  	_ =	shalt  }
0x84: {  	_ =	shalt  }
0x85: {  	_ =	shalt  }
0x86: {  	_ =	shalt  }
0x87: {  	_ =	shalt  }
.Lfunc_end0:
.L_simem_size_0:
called_computation_lowered:
.L_overlay_start_0:
0x88: {  	s0 =	sld [smem:$0x3FD9]  }
0x89: {  	s1 =	sld [smem:$0x3FFE];
	_ =	sdelay $0x3  }
0x8a: {  	s0 =	sadd.s32 s1, s0  }
0x8b: {  	[smem:$0x3FC4] =	sst s0  }
0x8c: {  	_ = 	snop  }
0x8d: {  	(tm) =	ssettm $0x1  }
0x8e: {  	s14 =	sld [smem:$0x3FFB];
	_ =	sdelay $0x3  }
0x8f: {  	_ =	strace s14  }
0x90: {  	s0 =	sld [smem:$0x3FFC];
	_ =	sdelay $0x3  }
0x91: {  	_ =	strace s0  }
0x92: {  	s0 =	sld [smem:$0x3FFD];
	_ =	sdelay $0x3  }
0x93: {  	_ =	strace s0  }
0x94: {  	_ =	strace $0x8FFFFFFF  }
0x95: {  	s15 =	sld [smem:$0x3FDB];
	_ =	sdelay $0x1  }
0x96: {  	s16 =	simm.s32 $_scs_section_size  }
0x97: {  	s2 =	simm.s32 $_size__tile_overlayer_lowered;
	s3 =	simm.s32 $_tile_overlayer_lowered  }
0x98: {  	s4 =	simm.s32 $0x1BFF;
	s17 =	sshll.u32 s3, $0x1;
	s1 =	sadd.s32 s16, s15  }
0x99: {  	s18 =	simm.s32 $0x0;
	s2 =	sshll.u32 s2, $0x1;
	s3 =	sadd.s32 s17, s1  }
0x9a: {  	[timem:s18], [sflag:s4] =	dma.local [hbm:s3], s2  }
0x9b: {  	_ =	swait.ge [sflag:s4], s2  }
0x9c: {  	s2 =	ssub.s32 $0x0, s2;
	[sflag:s4] =	ssyncset.done $0x0  }
0x9d: {  	[sflag:s4] =	ssyncadd.s32 s2;
	_ =	sdelay $0x1  }
0x9e: {  	s19 =	simm.s32 $0x1B8B  }
0x9f: {  	_ =	swait.ge [sflag:s19], $0x1  }
0xa0: {  	[sflag:s19] =	ssyncset.done $0x0  }
0xa1: {  	s21 =	simm.s32 $0x1B8E;
	s20 =	sld [smem:$0x3FFE];
	[sflag:s19] =	ssyncadd.s32 $0xFFFFFFFF  }
0xa2: {  	s22 =	simm.s32 $execute0_lowered;
	[smem:$0x3FD2] =	sst s21  }
0xa3: {  	s3 =	sshll.u32 s22, $0x1;
	_ =	strace $0x80000046;
	[dreg:$0x1] =	wrdreg $0xFFFFFFFF  }
0xa4: {  	s23 =	simm.s32 $_size_execute0_lowered;
	s3 =	sadd.s32 s1, s3;
	[dreg:$0x0] =	wrdreg $0x0  }
0xa5: {  	s4 =	sshll.u32 s23, $0x1;
	[dreg:$0x2] =	wrdreg s3  }
0xa6: {  	[dreg:$0x3] =	wrdreg s4  }
0xa7: {  	[dreg:$0x4] =	wrdreg $0xC0  }
0xa8: {  	s24 =	simm.s32 $execute1_lowered;
	_ =	task [dreg:s18], $0x5FFFF  }
0xa9: {  	s3 =	sshll.u32 s24, $0x1;
	[dreg:$0x1] =	wrdreg $0xFFFFFFFF  }
0xaa: {  	s1 =	sadd.s32 s1, s3;
	[dreg:$0x0] =	wrdreg $0x60  }
0xab: {  	[dreg:$0x2] =	wrdreg s1  }
0xac: {  	[dreg:$0x3] =	wrdreg s20  }
0xad: {  	[dreg:$0x4] =	wrdreg $0x9  }
0xae: {  	_ =	task.clear_ibuf [dreg:s18], $0x5FFFF;
	_ =	strace $0x90000046  }
0xaf: {  	s25 =	simm.s32 $0x9;
	_ =	strace $0x80000048  }
0xb0: {  	_ =	swait.ge [sflag:s25], $0x1  }
0xb1: {  	[sflag:s25] =	ssyncadd.s32 $0xFFFFFFFF  }
0xb2: {  	_ =	strace $0x90000048  }
0xb3: {  	_ =	strace $0x80000049;
	[dreg:$0x1] =	wrdreg $0xFFFFFFFF  }
0xb4: {  	[dreg:$0x0] =	wrdreg $0x2030  }
0xb5: {  	[dreg:$0x2] =	wrdreg s20  }
0xb6: {  	[dreg:$0x3] =	wrdreg $0xA  }
0xb7: {  	_ =	task.clear_ibuf [dreg:s18], $0x4FFFF;
	_ =	strace $0x90000049  }
0xb8: {  	s26 =	simm.s32 $0xA;
	_ =	strace $0x8000004B  }
0xb9: {  	_ =	swait.ge [sflag:s26], $0x1  }
0xba: {  	[sflag:s26] =	ssyncadd.s32 $0xFFFFFFFF  }
0xbb: {  	_ =	strace $0x9000004B  }
0xbc: {  	_ =	sfence  }
0xbd: {  	s28 =	sld [smem:$0x0];
	_ =	sdelay $0x1  }
0xbe: {  	s29 =	srdreg.scid  }
0xbf: {  	s30 =	sshll.u32 s29, $0xD;
	s31 =	sshrl.u32 s29, $0x2  }
0xc0: {  	s2 =	sand.u32 $0x1, s29;
	s3 =	sand.u32 $0x4000, s30;
	s1 =	sadd.s32 s31, s28  }
0xc1: {  	s2 =	sor.u32 s3, s2;
	s1 =	sshll.u32 s1, $0x11  }
0xc2: {  	s1 =	sor.u32 s1, s2  }
0xc3: {  	s1 =	sadd.s32 $0x8F2B, s1  }
0xc4: {  	[sflag:s1] =	ssyncadd.remote.s32 $0x1  }
0xc5: {  	_ =	sfence.sel $0xFFFF  }
0xc6: {  	[dreg:$0x0] =	wrdreg $0xFFFFFFFF;
	(pc) =	sbr.abs _section_cstart, $3  }
0xc7: {  	[dreg:$0x1] =	wrdreg $0xFFFFFFFF  }
0xc8: {  	_ =	task.clear_ibuf [dreg:s18], $0x2FFFF;
	_ =	strace $0x9FFFFFFF  }
0xc9: {  	(tm) =	ssettm $0x7FFFFFFF  }
tec
execute0_lowered:
.L_overlay_start_1:
0x0: {  	(tag) =	ssettag $0x1  }
0x1: {  	s3 =	rddreg [dreg:$0x0]  }
0x2: {  	s6 =	rddreg [dreg:$0x1]  }
0x3: {  	s0 =	rddreg [dreg:$0x2]  }
0x4: {  	s2 =	stileid.u32;
	[bflag:$0x3] =	sbarrier.arrive $0xFFFF;
	s1 =	simm.s32 $_size_execute1_lowered  }
0x5: {  	p0 =	sne.s32 s2, $0x0;
	s1 =	sshll.u32 s1, $0x1;
	s31 =	sshll.u32 s2, $0x3  }
0x6: {  	s4 =	simm.s32 @!p0 $0x1C3F;
	s5 =	simm.s32 @!p0 $0x4060;
	s7 =	ssub.s32 $0x10, s31  }
0x7: {  	[timem:s5], [sflag:s4] =	dma.local @!p0 [hbm:s3], s1  }
0x8: {  	p1 =	sgt.s32 s7, $0x0  }
0x9: {  	s7 =	simm.s32 @!p1 $0x0  }
0xa: {  	s7 =	sand.u32 $0x78, s7  }
0xb: {  	s10 =	simm.s32 $0x3;
	p1 =	sne.s32 s7, $0x0  }
0xc: {  	s10 =	simm.s32 @!p1 $0x2  }
0xd: {  	p3 =	sne.s32 s10, $0x1  }
.Ltmp0:
0xe: {  	s9 =	simm.s32 $0x0;
	s8 =	simm.s32 $0x1;
	(pc) =	sbr.rel @!p3 .LBB2_1-.Ltmp0, $4  }
0xf: {  	s13 =	simm.s32 $0xFFFFFFFF;
	s3 =	simm.s32 $0x1;
	s4 =	simm.s32 $0x2  }
0x10: {  	s5 =	sadd.s32 $0x5A00, s6;
	_ =	strace $0x80000047;
	s7 =	simm.s32 $0x1  }
0x11: {  	s6 =	sadd.s32 s2, s6;
	[sflag:s3] =	ssyncpa.u1 $0x0;
	s7 =	simm.s32 @!p1 $0x0  }
0x12: {  	[sflag:s4] =	ssyncpa.u1 $0x0;
	p1 =	por $0x0, $0x0;
	p2 =	sle.u32 s7, $0x0  }
0x13: {  	p1 =	sle.u32 s7, $0xFFFFFFFF  }
0x14: {  	s11 =	simm.s32 @!p2 $0x8;
	s12 =	simm.s32 @!p2 $0x0;
	s13 =	simm.s32 @!p1 $0x1  }
0x15: {  	[tilespmem:s11], [sflag:$0x1] =	stream.linear.gather @!p2 [hbm4b:s6+s12], $0x8, $0x38;
	[tilespmem:$0x20] =	vst v63  }
0x16: {  	_ =	swait.ge @!p1 [sflag:s13], $0x8  }
0x17: {  	[sflag:s13] =	ssyncset.done @!p1 $0x0  }
0x18: {  	s9 =	sand.u32 @!p1 $0x8, s9;
	[sflag:s13] =	ssyncadd.s32 @!p1 $0xFFFFFFF8  }
0x19: {  	v0 =	vld.msk @!p1 [tilespmem:s9+$0x0], $0xff;
	_ =	sdelay $0x2  }
0x1a: {  	p4 =	sne.s32 s10, $0x2  }
.Ltmp1:
0x1b: {  	p3 =	por $0x1, $0x1;
	s9 =	sor.u32 @!p1 $0x10, s9;
	(pc) =	sbr.rel @!p4 .LBB2_4-.Ltmp1, $4  }
0x1c: {  	s11 =	simm.s32 $0x2;
	s12 =	sadd.s32 @!p1 s5, s2;
	s13 =	simm.s32 @!p1 $0x0;
	[tilespmem:s9+$0x0] =	vst.msk @!p1 $0xff, v0  }
0x1d: {  	[hbm4b:s12+s13] =	stream.linear.scatter @!p1 [tilespmem:s9], [sflag:$0x2], $0x8, $0x38;
	[tilespmem:$0x20] =	vst v63  }
0x1e: {  	p2 =	sle.u32 s7, $0x1;
	s12 =	simm.s32 @!p3 $0x2;
	s9 =	simm.s32 $0x8  }
0x1f: {  	s13 =	simm.s32 $0x0;
	p1 =	por $0x1, $0x1;
	_ =	swait.ge @!p3 [sflag:s12], $0x8  }
.LBB2_3:
0x20: {  	s14 =	simm.s32 @!p2 $0x8;
	p4 =	sge.u32 s13, s7;
	[sflag:s12] =	ssyncset.done @!p3 $0x0  }
0x21: {  	s13 =	simm.s32 @!p2 $0x0;
	s15 =	simm.s32 @!p4 $0x1;
	[sflag:s12] =	ssyncadd.s32 @!p3 $0xFFFFFFF8  }
0x22: {  	[tilespmem:s14], [sflag:$0x1] =	stream.linear.gather @!p2 [hbm4b:s6+s13], $0x8, $0x38;
	[tilespmem:$0x20] =	vst v63  }
0x23: {  	s13 =	smov.u32 s11;
	s11 =	sadd.s32 $0x1, s11;
	_ =	swait.ge @!p4 [sflag:s15], $0x8  }
0x24: {  	s12 =	sand.u32 @!p4 $0x8, s9;
	p5 =	sne.s32 s11, s10;
	[sflag:s15] =	ssyncset.done @!p4 $0x0  }
0x25: {  	[sflag:s15] =	ssyncadd.s32 @!p4 $0xFFFFFFF8  }
0x26: {  	v0 =	vld.msk @!p4 [tilespmem:s12+$0x0], $0xff;
	_ =	sdelay $0x2  }
.Ltmp2:
0x27: {  	s14 =	sor.u32 @!p4 $0x10, s12;
	(pc) =	sbr.rel @p5 .LBB2_3-.Ltmp2, $4  }
0x28: {  	s16 =	simm.s32 @!p4 $0x0;
	p3 =	slt.u32 s8, $0x2;
	s15 =	sadd.s32 @!p4 s5, s2  }
0x29: {  	s9 =	sadd.s32 $0x8, s9;
	s8 =	smov.u32 s13;
	s12 =	simm.s32 @!p3 $0x2;
	[tilespmem:s14+$0x0] =	vst.msk @!p4 $0xff, v0  }
0x2a: {  	[hbm4b:s15+s16] =	stream.linear.scatter @!p4 [tilespmem:s14], [sflag:$0x2], $0x8, $0x38;
	[tilespmem:$0x20] =	vst v63  }
0x2b: {  	p2 =	sge.u32 s8, s7;
	s13 =	sadd.s32 $0xFFFFFFFF, s8;
	_ =	swait.ge @!p3 [sflag:s12], $0x8  }
.LBB2_4:
0x2c: {  	p3 =	por p3, !p1  }
0x2d: {  	s10 =	simm.s32 @!p2 $0x8;
	p1 =	sge.u32 s13, s7;
	[sflag:s12] =	ssyncset.done @!p3 $0x0  }
0x2e: {  	s7 =	simm.s32 @!p2 $0x0;
	s11 =	simm.s32 @!p1 $0x1;
	[sflag:s12] =	ssyncadd.s32 @!p3 $0xFFFFFFF8  }
0x2f: {  	[tilespmem:s10], [sflag:$0x1] =	stream.linear.gather @!p2 [hbm4b:s6+s7], $0x8, $0x38;
	[tilespmem:$0x20] =	vst v63  }
0x30: {  	_ =	swait.ge @!p1 [sflag:s11], $0x8  }
0x31: {  	[sflag:s11] =	ssyncset.done @!p1 $0x0  }
0x32: {  	s6 =	sand.u32 @!p1 $0x8, s9;
	[sflag:s11] =	ssyncadd.s32 @!p1 $0xFFFFFFF8  }
0x33: {  	v0 =	vld.msk @!p1 [tilespmem:s6+$0x0], $0xff;
	_ =	sdelay $0x3  }
0x34: {  	p2 =	slt.u32 s8, $0x2;
	s6 =	sor.u32 @!p1 $0x10, s6  }
0x35: {  	s2 =	sadd.s32 @!p1 s5, s2;
	s5 =	simm.s32 @!p1 $0x0;
	s7 =	simm.s32 @!p2 $0x2;
	[tilespmem:s6+$0x0] =	vst.msk @!p1 $0xff, v0  }
0x36: {  	[hbm4b:s2+s5] =	stream.linear.scatter @!p1 [tilespmem:s6], [sflag:$0x2], $0x8, $0x38;
	[tilespmem:$0x20] =	vst v63  }
0x37: {  	_ =	swait.ge @!p2 [sflag:s7], $0x8  }
0x38: {  	[sflag:s7] =	ssyncset.done @!p2 $0x0  }
0x39: {  	[sflag:s7] =	ssyncadd.s32 @!p2 $0xFFFFFFF8  }
0x3a: {  	_ =	sfence.sel $0x180000  }
0x3b: {  	[bflag:$0x0] =	sbarrier.arrive $0xFFFF  }
0x3c: {  	[sflag:s3] =	ssyncpa.u1 $0x1  }
0x3d: {  	[sflag:s4] =	ssyncpa.u1 $0x1  }
0x3e: {  	_ =	strace $0x90000047  }
0x3f: {  	s0 =	sadd.s32 @!p0 $0x100000, s0;
	[bflag:$0x2] =	sbarrier.arrive $0xFFFF  }
0x40: {  	[sflag:s0] =	ssyncadd.tile.s32 @!p0 $0x1;
	s0 =	simm.s32 @!p0 $0x3F  }
0x41: {  	_ =	swait.ge @!p0 [sflag:s0], s1  }
0x42: {  	s1 =	ssub.s32 @!p0 $0x0, s1;
	[sflag:s0] =	ssyncset.done @!p0 $0x0  }
0x43: {  	[sflag:s0] =	ssyncadd.s32 @!p0 s1  }
0x44: {  	[bflag:$0x3] =	sbarrier.arrive $0xFFFF  }
0x45: {  	_ =	shalt  }
.LBB2_1:
.Ltmp3:
0x46: {  	(pc) =	sbr.rel .LBB2_4-.Ltmp3, $2  }
0x47: {  	_ =	sdelay $0x2  }
0x48: {  	s8 =	simm.s32 $0x0  }
.Lfunc_end2:
execute1_lowered:
.L_overlay_start_2:
0x49: {  	(tag) =	ssettag $0x2  }
0x4a: {  	s2 =	rddreg [dreg:$0x0]  }
0x4b: {  	s0 =	rddreg [dreg:$0x1];
	_ =	strace $0x8000004A;
	s3 =	stileid.u32  }
0x4c: {  	s4 =	simm.s32 $0x3E;
	s1 =	sadd.s32 $0x5A00, s2;
	p0 =	sne.s32 s3, $0x0  }
0x4d: {  	[sflag:s4] =	ssyncpa.u1 $0x0;
	s5 =	simm.s32 @!p0 $0x1C3E;
	s6 =	simm.s32 @!p0 $0x0  }
0x4e: {  	[spmem:s6], [sflag:s5] =	dma.local @!p0 [hbm:s1], $0x10  }
0x4f: {  	s5 =	simm.s32 @!p0 $0x3E  }
0x50: {  	_ =	swait.ge @!p0 [sflag:s5], $0x10  }
0x51: {  	[sflag:s5] =	ssyncset.done @!p0 $0x0  }
0x52: {  	s26 =	simm.s32 $0x1;
	[sflag:s5] =	ssyncadd.s32 @!p0 $0xFFFFFFF0  }
0x53: {  	s28 =	simm.s32 $0x2;
	s7 =	simm.s32 $0x628;
	[bflag:$0x0] =	sbarrier.arrive $0xFFFF  }
0x54: {  	s3 =	smul.u32 $0xC4, s3;
	s29 =	sadd.s32 $0x3000, s2;
	[sflag:s4] =	ssyncpa.u1 $0x1  }
0x55: {  	s30 =	sadd.s32 $0x4C00, s2;
	s2 =	simm.s32 $0x0;
	[sflag:s26] =	ssyncpa.u1 $0x0  }
0x56: {  	s5 =	sadd.s32 s29, s3;
	(ifvalue) =	ssetifvalue $0x80;
	[sflag:s28] =	ssyncpa.u1 $0x0  }
0x57: {  	[tilespmem:s7], [sflag:$0x2] =	stream.linear.gather [hbm4b:s5+s2], $0x620, $0x38;
	[tilespmem:$0x1888] =	vst v63  }
0x58: {  	s31 =	sadd.s32 s30, s3;
	s3 =	simm.s32 $0x1268  }
0x59: {  	[tilespmem:s3], [sflag:$0x2] =	stream.linear.gather [hbm4b:s31+s2], $0x620, $0x38;
	[tilespmem:$0x1888] =	vst v63  }
0x5a: {  	_ =	swait.ge [sflag:s28], $0xC40  }
0x5b: {  	[sflag:s28] =	ssyncset.done $0x0  }
0x5c: {  	[sflag:s28] =	ssyncadd.s32 $0xFFFFF3C0  }
0x5d: {  	v0 =	vld.msk [tilespmem:s7+$0x0 ss:$0x1], $0xffff;
	_ =	sdelay $0x4  }
0x5e: {  	v0 =	vmin.u32 v0, $0x80;
	_ =	sdelay $0x3  }
0x5f: {  	vm0 =	vmmov $0xffff;
	s4 =	simm.s32 $0x0;
	s5 =	simm.s32 $0x638  }
0x60: {  	[spmem:s2] =	stream.indirect_vreg.scatter.add.s32 [tilespmem:s3], [sflag:$0x1], $0x1, v0, vm0, $0x4038;
	[tilespmem:$0x1888] =	vst v63  }
.LBB3_1:
0x61: {  	v0 =	vld.msk [tilespmem:s5+$0x0 ss:$0x1], $0xffff;
	s4 =	sadd.s32 $0x10, s4  }
0x62: {  	p1 =	slt.u32 s4, $0x610;
	_ =	sdelay $0x4  }
0x63: {  	v0 =	vmin.u32 v0, $0x80  }
.Ltmp4:
0x64: {  	(pc) =	sbr.rel @p1 .LBB3_1-.Ltmp4, $3  }
0x65: {  	_ =	sdelay $0x1  }
0x66: {  	s5 =	sadd.s32 $0x10, s5;
	s3 =	sadd.s32 $0x10, s3  }
0x67: {  	[spmem:s2] =	stream.indirect_vreg.scatter.add.s32 [tilespmem:s3], [sflag:$0x1], $0x1, v0, vm0, $0x4038;
	[tilespmem:$0x1888] =	vst v63  }
0x68: {  	s2 =	simm.s32 $0x1  }
0x69: {  	_ =	swait.ge [sflag:s2], $0x620  }
0x6a: {  	[sflag:s2] =	ssyncset.done $0x0  }
0x6b: {  	[sflag:s2] =	ssyncadd.s32 $0xFFFFF9E0  }
0x6c: {  	_ =	sfence.sel $0x180000  }
0x6d: {  	s3 =	simm.s32 $0x2;
	[bflag:$0x0] =	sbarrier.arrive $0xFFFF  }
0x6e: {  	[sflag:s3] =	ssyncpa.u1 $0x1  }
0x6f: {  	[sflag:s2] =	ssyncpa.u1 $0x1  }
0x70: {  	_ =	sfence.stream.spmem  }
0x71: {  	s31 =	simm.s32 $0x3D;
	[bflag:$0x0] =	sbarrier.arrive $0xFFFF  }
0x72: {  	s2 =	simm.s32 @p0 $0x3D;
	[sflag:s31] =	ssyncpa.u1 $0x0  }
0x73: {  	[sflag:s2] =	ssyncpa.u1 @p0 $0x1  }
0x74: {  	[bflag:$0x0] =	sbarrier.arrive @p0 $0xFFFF  }
0x75: {  	_ =	strace @p0 $0x9000004A  }
0x76: {  	s3 =	simm.s32 @!p0 $0x1C3D;
	s2 =	simm.s32 @!p0 $0x0;
	[bflag:$0x2] =	sbarrier.arrive @p0 $0xFFFF  }
0x77: {  	[hbm:s1], [sflag:s3] =	dma.local @!p0 [spmem:s2], $0x10  }
0x78: {  	s1 =	simm.s32 @!p0 $0x3D  }
0x79: {  	_ =	swait.ge @!p0 [sflag:s1], $0x10  }
0x7a: {  	[sflag:s1] =	ssyncset.done @!p0 $0x0  }
0x7b: {  	[sflag:s1] =	ssyncadd.s32 @!p0 $0xFFFFFFF0  }
0x7c: {  	[sflag:s1] =	ssyncpa.u1 @!p0 $0x1  }
0x7d: {  	[bflag:$0x0] =	sbarrier.arrive @!p0 $0xFFFF  }
0x7e: {  	_ =	strace @!p0 $0x9000004A  }
0x7f: {  	s0 =	sadd.s32 @!p0 $0x100000, s0;
	[bflag:$0x2] =	sbarrier.arrive @!p0 $0xFFFF  }
0x80: {  	[sflag:s0] =	ssyncadd.tile.s32 @!p0 $0x1;
	_ =	shalt  }
.Lfunc_end3:
_tile_overlayer_lowered:
.L_overlay_start_3:
0x81: {  	(tag) =	ssettag $0x3  }
0x82: {  	s0 =	rddreg [dreg:$0x0];
	s2 =	stileid.u32  }
0x83: {  	s1 =	rddreg [dreg:$0x1];
	p0 =	sne.s32 s2, $0x0  }
0x84: {  	s3 =	rddreg [dreg:$0x2];
	[bflag:$0x3] =	sbarrier.arrive $0xFFFF;
	s2 =	simm.s32 @!p0 $0x1C01  }
0x85: {  	[timem:s3], [sflag:s2] =	dma.local @!p0 [hbm:s0], s1  }
0x86: {  	s0 =	simm.s32 @!p0 $0x1  }
0x87: {  	_ =	swait.ge @!p0 [sflag:s0], s1  }
0x88: {  	s1 =	ssub.s32 @!p0 $0x0, s1;
	[sflag:s0] =	ssyncset.done @!p0 $0x0  }
0x89: {  	[sflag:s0] =	ssyncadd.s32 @!p0 s1  }
0x8a: {  	[bflag:$0x3] =	sbarrier.arrive $0xFFFF  }
0x8b: {  	_ =	shalt  }

</sc_bundles>
